<compile_context>
chip_gen: v7x
topology: tpu7x:2x2x1
jax: 0.10.2.dev20260603
libtpu: 0.0.44.dev20260713+nightly
codegen_flags: <defaults>
</compile_context>

<pallas_src>
import functools

import jax
import jax.numpy as jnp
from jax import lax
from jax.experimental import pallas as pl
from jax.experimental.pallas import tpu as pltpu
from jax.experimental.pallas import tpu_sc as plsc

VOCAB = 8192
BATCH = 4096
D = VOCAB

NUM_CORES = 2
NUM_SUBCORES = 16
NW = NUM_CORES * NUM_SUBCORES
B_PER_W = BATCH // NW
CHUNK = 8
N_CHUNKS = B_PER_W // CHUNK


def _gather_body(idx_hbm, table_hbm, out_hbm, idx_v, rows_v, gsem):
    wid = lax.axis_index("s") * NUM_CORES + lax.axis_index("c")
    base = wid * B_PER_W

    pltpu.sync_copy(idx_hbm.at[pl.ds(base, B_PER_W)], idx_v)

    for i in range(N_CHUNKS):
        idx_sl = idx_v.at[pl.ds(i * CHUNK, CHUNK)]
        pltpu.async_copy(table_hbm.at[idx_sl], rows_v, gsem).wait()
        pltpu.sync_copy(rows_v, out_hbm.at[pl.ds(base + i * CHUNK, CHUNK)])


@jax.jit
def _lookup(idx, table):
    mesh = plsc.VectorSubcoreMesh(core_axis_name="c", subcore_axis_name="s")
    kfn = functools.partial(
        pl.kernel,
        mesh=mesh,
        out_type=jax.ShapeDtypeStruct((BATCH, D), jnp.float32),
        scratch_types=[
            pltpu.VMEM((B_PER_W,), jnp.int32),
            pltpu.VMEM((CHUNK, D), jnp.float32),
            pltpu.SemaphoreType.DMA,
        ],
    )(_gather_body)
    return kfn(idx, table)


def kernel(x, table):
    last = x[:, -1].astype(jnp.int32)
    return _lookup(last, table)

# --- scband reference (transcript-rebuilt; emitter-appended) ---
"""Pipeline reference for scband-bigram-model-40596030882600 (READ-ONLY COPY).

The authoritative reference and input builder live on the scoring server;
editing this copy changes nothing except your own understanding.
"""

import jax, jax.numpy as jnp
import numpy as np

VOCAB = 8192
BATCH = 4096
SEQ = 200


def setup_inputs(seed: int = 0) -> dict:
    key = jax.random.key(seed)
    k1, k2 = jax.random.split(key)
    x = jax.random.randint(k1, (BATCH, SEQ), 0, VOCAB, dtype=jnp.int64 if jax.config.read('jax_enable_x64') else jnp.int32)
    table = jax.random.normal(k2, (VOCAB, VOCAB), dtype=jnp.float32) * 0.02
    return {"x": x, "table": table}


def reference(x, table):
    # BigramModel.forward: take last token of each sequence, look up its logits row.
    last = x[:, -1]
    return jnp.take(table, last, axis=0)

if __name__ == "__main__":
    import jax
    _d = setup_inputs()
    print(jax.jit(kernel)(*tuple(_d.values())))

</pallas_src>

<mosaic_0001>
#map = affine_map<(d0, d1) -> (0)>
#map1 = affine_map<(d0, d1) -> (0, 0)>
module attributes {stable_mosaic.version = 14 : i64} {
  func.func @_gather_body(%arg0: i32, %arg1: i32, %arg2: memref<4096xi32, #tpu.memory_space<hbm>>, %arg3: memref<8192x8192xf32, #tpu.memory_space<hbm>>, %arg4: memref<4096x8192xf32, #tpu.memory_space<hbm>>, %arg5: memref<128xi32, #tpu.memory_space<vmem>>, %arg6: memref<8x8192xf32, #tpu.memory_space<vmem>>, %arg7: memref<!tpu.dma_semaphore, #tpu.memory_space<semaphore_mem>>) attributes {dimension_semantics = [#tpu.dimension_semantics<core_parallel>, #tpu.dimension_semantics<subcore_parallel>], iteration_bounds = array<i64: 2, 16>, scalar_prefetch = 0 : i64, scratch_operands = 3 : i64, tpu.core_type = #tpu.core_type<sc_vector_subcore>, window_params = [{transform_indices = #map}, {transform_indices = #map1}, {transform_indices = #map1}]} {
    %mul3A = arith.constant 2 : i32
    %mul3A_0 = arith.muli %arg1, %mul3A : i32
    %add3A = arith.addi %mul3A_0, %arg0 : i32
    %mul3A_1 = arith.constant 128 : i32
    %mul3A_2 = arith.muli %add3A, %mul3A_1 : i32
    "tpu.region"() ({
      %run_scoped3A = tpu.sem_alloc : memref<!tpu.dma_semaphore, #tpu.memory_space<semaphore_mem>>
      %dma_start3A_193 = tpu.memref_slice %arg2[%mul3A_2] : memref<4096xi32, #tpu.memory_space<hbm>> -> memref<128xi32, #tpu.memory_space<hbm>>
      %dma_start3A_194 = tpu.memref_slice %arg2[%mul3A_2] : memref<4096xi32, #tpu.memory_space<hbm>> -> memref<128xi32, #tpu.memory_space<hbm>>
      tpu.enqueue_dma source(%dma_start3A_194 : memref<128xi32, #tpu.memory_space<hbm>>) target(%arg5 : memref<128xi32, #tpu.memory_space<vmem>>) target_semaphore(%run_scoped3A : memref<!tpu.dma_semaphore, #tpu.memory_space<semaphore_mem>>)
      %dma_wait3A_195 = tpu.memref_slice %arg2[%mul3A_2] : memref<4096xi32, #tpu.memory_space<hbm>> -> memref<128xi32, #tpu.memory_space<hbm>>
      %dma_wait3A_196 = tpu.memref_slice %arg2[%mul3A_2] : memref<4096xi32, #tpu.memory_space<hbm>> -> memref<128xi32, #tpu.memory_space<hbm>>
      tpu.wait_dma2 semaphore(%run_scoped3A : memref<!tpu.dma_semaphore, #tpu.memory_space<semaphore_mem>>) src(%dma_wait3A_196 : memref<128xi32, #tpu.memory_space<hbm>>) dst(%arg5 : memref<128xi32, #tpu.memory_space<vmem>>)
      tpu.yield
    }) : () -> ()
    %dma_start3A = arith.constant 0 : i32
    %dma_start3A_3 = tpu.memref_slice %arg5[%dma_start3A] : memref<128xi32, #tpu.memory_space<vmem>> -> memref<8xi32, #tpu.memory_space<vmem>>
    %dma_start3A_4 = arith.constant 0 : i32
    %dma_start3A_5 = arith.constant 0 : i32
    %dma_start3A_6 = tpu.memref_slice %arg3[%dma_start3A_4, %dma_start3A_5] : memref<8192x8192xf32, #tpu.memory_space<hbm>> -> memref<8192x8192xf32, #tpu.memory_space<hbm>>
    tpu.enqueue_indirect_dma source(%dma_start3A_6 : memref<8192x8192xf32, #tpu.memory_space<hbm>>) target(%arg6 : memref<8x8192xf32, #tpu.memory_space<vmem>>) offsets(%dma_start3A_3 : memref<8xi32, #tpu.memory_space<vmem>>) semaphore(%arg7 : memref<!tpu.dma_semaphore, #tpu.memory_space<semaphore_mem>>)
    %dma_wait3A = arith.constant 0 : i32
    %dma_wait3A_7 = tpu.memref_slice %arg5[%dma_wait3A] : memref<128xi32, #tpu.memory_space<vmem>> -> memref<8xi32, #tpu.memory_space<vmem>>
    %dma_wait3A_8 = arith.constant 0 : i32
    %dma_wait3A_9 = arith.constant 0 : i32
    %dma_wait3A_10 = tpu.memref_slice %arg3[%dma_wait3A_8, %dma_wait3A_9] : memref<8192x8192xf32, #tpu.memory_space<hbm>> -> memref<8192x8192xf32, #tpu.memory_space<hbm>>
    tpu.wait_indirect_dma semaphore(%arg7 : memref<!tpu.dma_semaphore, #tpu.memory_space<semaphore_mem>>) src(%dma_wait3A_10 : memref<8192x8192xf32, #tpu.memory_space<hbm>>) dst(%arg6 : memref<8x8192xf32, #tpu.memory_space<vmem>>)
    %add3A_11 = arith.constant 0 : i32
    %add3A_12 = arith.addi %mul3A_2, %add3A_11 : i32
    "tpu.region"() ({
      %run_scoped3A = tpu.sem_alloc : memref<!tpu.dma_semaphore, #tpu.memory_space<semaphore_mem>>
      %dma_start3A_193 = arith.constant 0 : i32
      %dma_start3A_194 = tpu.memref_slice %arg4[%add3A_12, %dma_start3A_193] : memref<4096x8192xf32, #tpu.memory_space<hbm>> -> memref<8x8192xf32, #tpu.memory_space<hbm>>
      %dma_start3A_195 = arith.constant 0 : i32
      %dma_start3A_196 = tpu.memref_slice %arg4[%add3A_12, %dma_start3A_195] : memref<4096x8192xf32, #tpu.memory_space<hbm>> -> memref<8x8192xf32, #tpu.memory_space<hbm>>
      tpu.enqueue_dma source(%arg6 : memref<8x8192xf32, #tpu.memory_space<vmem>>) target(%dma_start3A_196 : memref<8x8192xf32, #tpu.memory_space<hbm>>) target_semaphore(%run_scoped3A : memref<!tpu.dma_semaphore, #tpu.memory_space<semaphore_mem>>)
      %dma_wait3A_197 = arith.constant 0 : i32
      %dma_wait3A_198 = tpu.memref_slice %arg4[%add3A_12, %dma_wait3A_197] : memref<4096x8192xf32, #tpu.memory_space<hbm>> -> memref<8x8192xf32, #tpu.memory_space<hbm>>
      %dma_wait3A_199 = arith.constant 0 : i32
      %dma_wait3A_200 = tpu.memref_slice %arg4[%add3A_12, %dma_wait3A_199] : memref<4096x8192xf32, #tpu.memory_space<hbm>> -> memref<8x8192xf32, #tpu.memory_space<hbm>>
      tpu.wait_dma2 semaphore(%run_scoped3A : memref<!tpu.dma_semaphore, #tpu.memory_space<semaphore_mem>>) src(%arg6 : memref<8x8192xf32, #tpu.memory_space<vmem>>) dst(%dma_wait3A_200 : memref<8x8192xf32, #tpu.memory_space<hbm>>)
      tpu.yield
    }) : () -> ()
    %dma_start3A_13 = arith.constant 8 : i32
    %dma_start3A_14 = tpu.memref_slice %arg5[%dma_start3A_13] : memref<128xi32, #tpu.memory_space<vmem>> -> memref<8xi32, #tpu.memory_space<vmem>>
    %dma_start3A_15 = arith.constant 0 : i32
    %dma_start3A_16 = arith.constant 0 : i32
    %dma_start3A_17 = tpu.memref_slice %arg3[%dma_start3A_15, %dma_start3A_16] : memref<8192x8192xf32, #tpu.memory_space<hbm>> -> memref<8192x8192xf32, #tpu.memory_space<hbm>>
    tpu.enqueue_indirect_dma source(%dma_start3A_17 : memref<8192x8192xf32, #tpu.memory_space<hbm>>) target(%arg6 : memref<8x8192xf32, #tpu.memory_space<vmem>>) offsets(%dma_start3A_14 : memref<8xi32, #tpu.memory_space<vmem>>) semaphore(%arg7 : memref<!tpu.dma_semaphore, #tpu.memory_space<semaphore_mem>>)
    %dma_wait3A_18 = arith.constant 8 : i32
    %dma_wait3A_19 = tpu.memref_slice %arg5[%dma_wait3A_18] : memref<128xi32, #tpu.memory_space<vmem>> -> memref<8xi32, #tpu.memory_space<vmem>>
    %dma_wait3A_20 = arith.constant 0 : i32
    %dma_wait3A_21 = arith.constant 0 : i32
    %dma_wait3A_22 = tpu.memref_slice %arg3[%dma_wait3A_20, %dma_wait3A_21] : memref<8192x8192xf32, #tpu.memory_space<hbm>> -> memref<8192x8192xf32, #tpu.memory_space<hbm>>
    tpu.wait_indirect_dma semaphore(%arg7 : memref<!tpu.dma_semaphore, #tpu.memory_space<semaphore_mem>>) src(%dma_wait3A_22 : memref<8192x8192xf32, #tpu.memory_space<hbm>>) dst(%arg6 : memref<8x8192xf32, #tpu.memory_space<vmem>>)
    %add3A_23 = arith.constant 8 : i32
    %add3A_24 = arith.addi %mul3A_2, %add3A_23 : i32
    "tpu.region"() ({
      %run_scoped3A = tpu.sem_alloc : memref<!tpu.dma_semaphore, #tpu.memory_space<semaphore_mem>>
      %dma_start3A_193 = arith.constant 0 : i32
      %dma_start3A_194 = tpu.memref_slice %arg4[%add3A_24, %dma_start3A_193] : memref<4096x8192xf32, #tpu.memory_space<hbm>> -> memref<8x8192xf32, #tpu.memory_space<hbm>>
      %dma_start3A_195 = arith.constant 0 : i32
      %dma_start3A_196 = tpu.memref_slice %arg4[%add3A_24, %dma_start3A_195] : memref<4096x8192xf32, #tpu.memory_space<hbm>> -> memref<8x8192xf32, #tpu.memory_space<hbm>>
      tpu.enqueue_dma source(%arg6 : memref<8x8192xf32, #tpu.memory_space<vmem>>) target(%dma_start3A_196 : memref<8x8192xf32, #tpu.memory_space<hbm>>) target_semaphore(%run_scoped3A : memref<!tpu.dma_semaphore, #tpu.memory_space<semaphore_mem>>)
      %dma_wait3A_197 = arith.constant 0 : i32
      %dma_wait3A_198 = tpu.memref_slice %arg4[%add3A_24, %dma_wait3A_197] : memref<4096x8192xf32, #tpu.memory_space<hbm>> -> memref<8x8192xf32, #tpu.memory_space<hbm>>
      %dma_wait3A_199 = arith.constant 0 : i32
      %dma_wait3A_200 = tpu.memref_slice %arg4[%add3A_24, %dma_wait3A_199] : memref<4096x8192xf32, #tpu.memory_space<hbm>> -> memref<8x8192xf32, #tpu.memory_space<hbm>>
      tpu.wait_dma2 semaphore(%run_scoped3A : memref<!tpu.dma_semaphore, #tpu.memory_space<semaphore_mem>>) src(%arg6 : memref<8x8192xf32, #tpu.memory_space<vmem>>) dst(%dma_wait3A_200 : memref<8x8192xf32, #tpu.memory_space<hbm>>)
      tpu.yield
    }) : () -> ()
    %dma_start3A_25 = arith.constant 16 : i32
    %dma_start3A_26 = tpu.memref_slice %arg5[%dma_start3A_25] : memref<128xi32, #tpu.memory_space<vmem>> -> memref<8xi32, #tpu.memory_space<vmem>>
    %dma_start3A_27 = arith.constant 0 : i32
    %dma_start3A_28 = arith.constant 0 : i32
    %dma_start3A_29 = tpu.memref_slice %arg3[%dma_start3A_27, %dma_start3A_28] : memref<8192x8192xf32, #tpu.memory_space<hbm>> -> memref<8192x8192xf32, #tpu.memory_space<hbm>>
    tpu.enqueue_indirect_dma source(%dma_start3A_29 : memref<8192x8192xf32, #tpu.memory_space<hbm>>) target(%arg6 : memref<8x8192xf32, #tpu.memory_space<vmem>>) offsets(%dma_start3A_26 : memref<8xi32, #tpu.memory_space<vmem>>) semaphore(%arg7 : memref<!tpu.dma_semaphore, #tpu.memory_space<semaphore_mem>>)
    %dma_wait3A_30 = arith.constant 16 : i32
    %dma_wait3A_31 = tpu.memref_slice %arg5[%dma_wait3A_30] : memref<128xi32, #tpu.memory_space<vmem>> -> memref<8xi32, #tpu.memory_space<vmem>>
    %dma_wait3A_32 = arith.constant 0 : i32
    %dma_wait3A_33 = arith.constant 0 : i32
    %dma_wait3A_34 = tpu.memref_slice %arg3[%dma_wait3A_32, %dma_wait3A_33] : memref<8192x8192xf32, #tpu.memory_space<hbm>> -> memref<8192x8192xf32, #tpu.memory_space<hbm>>
    tpu.wait_indirect_dma semaphore(%arg7 : memref<!tpu.dma_semaphore, #tpu.memory_space<semaphore_mem>>) src(%dma_wait3A_34 : memref<8192x8192xf32, #tpu.memory_space<hbm>>) dst(%arg6 : memref<8x8192xf32, #tpu.memory_space<vmem>>)
    %add3A_35 = arith.constant 16 : i32
    %add3A_36 = arith.addi %mul3A_2, %add3A_35 : i32
    "tpu.region"() ({
      %run_scoped3A = tpu.sem_alloc : memref<!tpu.dma_semaphore, #tpu.memory_space<semaphore_mem>>
      %dma_start3A_193 = arith.constant 0 : i32
      %dma_start3A_194 = tpu.memref_slice %arg4[%add3A_36, %dma_start3A_193] : memref<4096x8192xf32, #tpu.memory_space<hbm>> -> memref<8x8192xf32, #tpu.memory_space<hbm>>
      %dma_start3A_195 = arith.constant 0 : i32
      %dma_start3A_196 = tpu.memref_slice %arg4[%add3A_36, %dma_start3A_195] : memref<4096x8192xf32, #tpu.memory_space<hbm>> -> memref<8x8192xf32, #tpu.memory_space<hbm>>
      tpu.enqueue_dma source(%arg6 : memref<8x8192xf32, #tpu.memory_space<vmem>>) target(%dma_start3A_196 : memref<8x8192xf32, #tpu.memory_space<hbm>>) target_semaphore(%run_scoped3A : memref<!tpu.dma_semaphore, #tpu.memory_space<semaphore_mem>>)
      %dma_wait3A_197 = arith.constant 0 : i32
      %dma_wait3A_198 = tpu.memref_slice %arg4[%add3A_36, %dma_wait3A_197] : memref<4096x8192xf32, #tpu.memory_space<hbm>> -> memref<8x8192xf32, #tpu.memory_space<hbm>>
      %dma_wait3A_199 = arith.constant 0 : i32
      %dma_wait3A_200 = tpu.memref_slice %arg4[%add3A_36, %dma_wait3A_199] : memref<4096x8192xf32, #tpu.memory_space<hbm>> -> memref<8x8192xf32, #tpu.memory_space<hbm>>
      tpu.wait_dma2 semaphore(%run_scoped3A : memref<!tpu.dma_semaphore, #tpu.memory_space<semaphore_mem>>) src(%arg6 : memref<8x8192xf32, #tpu.memory_space<vmem>>) dst(%dma_wait3A_200 : memref<8x8192xf32, #tpu.memory_space<hbm>>)
      tpu.yield
    }) : () -> ()
    %dma_start3A_37 = arith.constant 24 : i32
    %dma_start3A_38 = tpu.memref_slice %arg5[%dma_start3A_37] : memref<128xi32, #tpu.memory_space<vmem>> -> memref<8xi32, #tpu.memory_space<vmem>>
    %dma_start3A_39 = arith.constant 0 : i32
    %dma_start3A_40 = arith.constant 0 : i32
    %dma_start3A_41 = tpu.memref_slice %arg3[%dma_start3A_39, %dma_start3A_40] : memref<8192x8192xf32, #tpu.memory_space<hbm>> -> memref<8192x8192xf32, #tpu.memory_space<hbm>>
    tpu.enqueue_indirect_dma source(%dma_start3A_41 : memref<8192x8192xf32, #tpu.memory_space<hbm>>) target(%arg6 : memref<8x8192xf32, #tpu.memory_space<vmem>>) offsets(%dma_start3A_38 : memref<8xi32, #tpu.memory_space<vmem>>) semaphore(%arg7 : memref<!tpu.dma_semaphore, #tpu.memory_space<semaphore_mem>>)
    %dma_wait3A_42 = arith.constant 24 : i32
    %dma_wait3A_43 = tpu.memref_slice %arg5[%dma_wait3A_42] : memref<128xi32, #tpu.memory_space<vmem>> -> memref<8xi32, #tpu.memory_space<vmem>>
    %dma_wait3A_44 = arith.constant 0 : i32
    %dma_wait3A_45 = arith.constant 0 : i32
    %dma_wait3A_46 = tpu.memref_slice %arg3[%dma_wait3A_44, %dma_wait3A_45] : memref<8192x8192xf32, #tpu.memory_space<hbm>> -> memref<8192x8192xf32, #tpu.memory_space<hbm>>
    tpu.wait_indirect_dma semaphore(%arg7 : memref<!tpu.dma_semaphore, #tpu.memory_space<semaphore_mem>>) src(%dma_wait3A_46 : memref<8192x8192xf32, #tpu.memory_space<hbm>>) dst(%arg6 : memref<8x8192xf32, #tpu.memory_space<vmem>>)
    %add3A_47 = arith.constant 24 : i32
    %add3A_48 = arith.addi %mul3A_2, %add3A_47 : i32
    "tpu.region"() ({
      %run_scoped3A = tpu.sem_alloc : memref<!tpu.dma_semaphore, #tpu.memory_space<semaphore_mem>>
      %dma_start3A_193 = arith.constant 0 : i32
      %dma_start3A_194 = tpu.memref_slice %arg4[%add3A_48, %dma_start3A_193] : memref<4096x8192xf32, #tpu.memory_space<hbm>> -> memref<8x8192xf32, #tpu.memory_space<hbm>>
      %dma_start3A_195 = arith.constant 0 : i32
      %dma_start3A_196 = tpu.memref_slice %arg4[%add3A_48, %dma_start3A_195] : memref<4096x8192xf32, #tpu.memory_space<hbm>> -> memref<8x8192xf32, #tpu.memory_space<hbm>>
      tpu.enqueue_dma source(%arg6 : memref<8x8192xf32, #tpu.memory_space<vmem>>) target(%dma_start3A_196 : memref<8x8192xf32, #tpu.memory_space<hbm>>) target_semaphore(%run_scoped3A : memref<!tpu.dma_semaphore, #tpu.memory_space<semaphore_mem>>)
      %dma_wait3A_197 = arith.constant 0 : i32
      %dma_wait3A_198 = tpu.memref_slice %arg4[%add3A_48, %dma_wait3A_197] : memref<4096x8192xf32, #tpu.memory_space<hbm>> -> memref<8x8192xf32, #tpu.memory_space<hbm>>
      %dma_wait3A_199 = arith.constant 0 : i32
      %dma_wait3A_200 = tpu.memref_slice %arg4[%add3A_48, %dma_wait3A_199] : memref<4096x8192xf32, #tpu.memory_space<hbm>> -> memref<8x8192xf32, #tpu.memory_space<hbm>>
      tpu.wait_dma2 semaphore(%run_scoped3A : memref<!tpu.dma_semaphore, #tpu.memory_space<semaphore_mem>>) src(%arg6 : memref<8x8192xf32, #tpu.memory_space<vmem>>) dst(%dma_wait3A_200 : memref<8x8192xf32, #tpu.memory_space<hbm>>)
      tpu.yield
    }) : () -> ()
    %dma_start3A_49 = arith.constant 32 : i32
    %dma_start3A_50 = tpu.memref_slice %arg5[%dma_start3A_49] : memref<128xi32, #tpu.memory_space<vmem>> -> memref<8xi32, #tpu.memory_space<vmem>>
    %dma_start3A_51 = arith.constant 0 : i32
    %dma_start3A_52 = arith.constant 0 : i32
    %dma_start3A_53 = tpu.memref_slice %arg3[%dma_start3A_51, %dma_start3A_52] : memref<8192x8192xf32, #tpu.memory_space<hbm>> -> memref<8192x8192xf32, #tpu.memory_space<hbm>>
    tpu.enqueue_indirect_dma source(%dma_start3A_53 : memref<8192x8192xf32, #tpu.memory_space<hbm>>) target(%arg6 : memref<8x8192xf32, #tpu.memory_space<vmem>>) offsets(%dma_start3A_50 : memref<8xi32, #tpu.memory_space<vmem>>) semaphore(%arg7 : memref<!tpu.dma_semaphore, #tpu.memory_space<semaphore_mem>>)
    %dma_wait3A_54 = arith.constant 32 : i32
    %dma_wait3A_55 = tpu.memref_slice %arg5[%dma_wait3A_54] : memref<128xi32, #tpu.memory_space<vmem>> -> memref<8xi32, #tpu.memory_space<vmem>>
    %dma_wait3A_56 = arith.constant 0 : i32
    %dma_wait3A_57 = arith.constant 0 : i32
    %dma_wait3A_58 = tpu.memref_slice %arg3[%dma_wait3A_56, %dma_wait3A_57] : memref<8192x8192xf32, #tpu.memory_space<hbm>> -> memref<8192x8192xf32, #tpu.memory_space<hbm>>
    tpu.wait_indirect_dma semaphore(%arg7 : memref<!tpu.dma_semaphore, #tpu.memory_space<semaphore_mem>>) src(%dma_wait3A_58 : memref<8192x8192xf32, #tpu.memory_space<hbm>>) dst(%arg6 : memref<8x8192xf32, #tpu.memory_space<vmem>>)
    %add3A_59 = arith.constant 32 : i32
    %add3A_60 = arith.addi %mul3A_2, %add3A_59 : i32
    "tpu.region"() ({
      %run_scoped3A = tpu.sem_alloc : memref<!tpu.dma_semaphore, #tpu.memory_space<semaphore_mem>>
      %dma_start3A_193 = arith.constant 0 : i32
      %dma_start3A_194 = tpu.memref_slice %arg4[%add3A_60, %dma_start3A_193] : memref<4096x8192xf32, #tpu.memory_space<hbm>> -> memref<8x8192xf32, #tpu.memory_space<hbm>>
      %dma_start3A_195 = arith.constant 0 : i32
      %dma_start3A_196 = tpu.memref_slice %arg4[%add3A_60, %dma_start3A_195] : memref<4096x8192xf32, #tpu.memory_space<hbm>> -> memref<8x8192xf32, #tpu.memory_space<hbm>>
      tpu.enqueue_dma source(%arg6 : memref<8x8192xf32, #tpu.memory_space<vmem>>) target(%dma_start3A_196 : memref<8x8192xf32, #tpu.memory_space<hbm>>) target_semaphore(%run_scoped3A : memref<!tpu.dma_semaphore, #tpu.memory_space<semaphore_mem>>)
      %dma_wait3A_197 = arith.constant 0 : i32
      %dma_wait3A_198 = tpu.memref_slice %arg4[%add3A_60, %dma_wait3A_197] : memref<4096x8192xf32, #tpu.memory_space<hbm>> -> memref<8x8192xf32, #tpu.memory_space<hbm>>
      %dma_wait3A_199 = arith.constant 0 : i32
      %dma_wait3A_200 = tpu.memref_slice %arg4[%add3A_60, %dma_wait3A_199] : memref<4096x8192xf32, #tpu.memory_space<hbm>> -> memref<8x8192xf32, #tpu.memory_space<hbm>>
      tpu.wait_dma2 semaphore(%run_scoped3A : memref<!tpu.dma_semaphore, #tpu.memory_space<semaphore_mem>>) src(%arg6 : memref<8x8192xf32, #tpu.memory_space<vmem>>) dst(%dma_wait3A_200 : memref<8x8192xf32, #tpu.memory_space<hbm>>)
      tpu.yield
    }) : () -> ()
    %dma_start3A_61 = arith.constant 40 : i32
    %dma_start3A_62 = tpu.memref_slice %arg5[%dma_start3A_61] : memref<128xi32, #tpu.memory_space<vmem>> -> memref<8xi32, #tpu.memory_space<vmem>>
    %dma_start3A_63 = arith.constant 0 : i32
    %dma_start3A_64 = arith.constant 0 : i32
    %dma_start3A_65 = tpu.memref_slice %arg3[%dma_start3A_63, %dma_start3A_64] : memref<8192x8192xf32, #tpu.memory_space<hbm>> -> memref<8192x8192xf32, #tpu.memory_space<hbm>>
    tpu.enqueue_indirect_dma source(%dma_start3A_65 : memref<8192x8192xf32, #tpu.memory_space<hbm>>) target(%arg6 : memref<8x8192xf32, #tpu.memory_space<vmem>>) offsets(%dma_start3A_62 : memref<8xi32, #tpu.memory_space<vmem>>) semaphore(%arg7 : memref<!tpu.dma_semaphore, #tpu.memory_space<semaphore_mem>>)
    %dma_wait3A_66 = arith.constant 40 : i32
    %dma_wait3A_67 = tpu.memref_slice %arg5[%dma_wait3A_66] : memref<128xi32, #tpu.memory_space<vmem>> -> memref<8xi32, #tpu.memory_space<vmem>>
    %dma_wait3A_68 = arith.constant 0 : i32
    %dma_wait3A_69 = arith.constant 0 : i32
    %dma_wait3A_70 = tpu.memref_slice %arg3[%dma_wait3A_68, %dma_wait3A_69] : memref<8192x8192xf32, #tpu.memory_space<hbm>> -> memref<8192x8192xf32, #tpu.memory_space<hbm>>
    tpu.wait_indirect_dma semaphore(%arg7 : memref<!tpu.dma_semaphore, #tpu.memory_space<semaphore_mem>>) src(%dma_wait3A_70 : memref<8192x8192xf32, #tpu.memory_space<hbm>>) dst(%arg6 : memref<8x8192xf32, #tpu.memory_space<vmem>>)
    %add3A_71 = arith.constant 40 : i32
    %add3A_72 = arith.addi %mul3A_2, %add3A_71 : i32
    "tpu.region"() ({
      %run_scoped3A = tpu.sem_alloc : memref<!tpu.dma_semaphore, #tpu.memory_space<semaphore_mem>>
      %dma_start3A_193 = arith.constant 0 : i32
      %dma_start3A_194 = tpu.memref_slice %arg4[%add3A_72, %dma_start3A_193] : memref<4096x8192xf32, #tpu.memory_space<hbm>> -> memref<8x8192xf32, #tpu.memory_space<hbm>>
      %dma_start3A_195 = arith.constant 0 : i32
      %dma_start3A_196 = tpu.memref_slice %arg4[%add3A_72, %dma_start3A_195] : memref<4096x8192xf32, #tpu.memory_space<hbm>> -> memref<8x8192xf32, #tpu.memory_space<hbm>>
      tpu.enqueue_dma source(%arg6 : memref<8x8192xf32, #tpu.memory_space<vmem>>) target(%dma_start3A_196 : memref<8x8192xf32, #tpu.memory_space<hbm>>) target_semaphore(%run_scoped3A : memref<!tpu.dma_semaphore, #tpu.memory_space<semaphore_mem>>)
      %dma_wait3A_197 = arith.constant 0 : i32
      %dma_wait3A_198 = tpu.memref_slice %arg4[%add3A_72, %dma_wait3A_197] : memref<4096x8192xf32, #tpu.memory_space<hbm>> -> memref<8x8192xf32, #tpu.memory_space<hbm>>
      %dma_wait3A_199 = arith.constant 0 : i32
      %dma_wait3A_200 = tpu.memref_slice %arg4[%add3A_72, %dma_wait3A_199] : memref<4096x8192xf32, #tpu.memory_space<hbm>> -> memref<8x8192xf32, #tpu.memory_space<hbm>>
      tpu.wait_dma2 semaphore(%run_scoped3A : memref<!tpu.dma_semaphore, #tpu.memory_space<semaphore_mem>>) src(%arg6 : memref<8x8192xf32, #tpu.memory_space<vmem>>) dst(%dma_wait3A_200 : memref<8x8192xf32, #tpu.memory_space<hbm>>)
      tpu.yield
    }) : () -> ()
    %dma_start3A_73 = arith.constant 48 : i32
    %dma_start3A_74 = tpu.memref_slice %arg5[%dma_start3A_73] : memref<128xi32, #tpu.memory_space<vmem>> -> memref<8xi32, #tpu.memory_space<vmem>>
    %dma_start3A_75 = arith.constant 0 : i32
    %dma_start3A_76 = arith.constant 0 : i32
    %dma_start3A_77 = tpu.memref_slice %arg3[%dma_start3A_75, %dma_start3A_76] : memref<8192x8192xf32, #tpu.memory_space<hbm>> -> memref<8192x8192xf32, #tpu.memory_space<hbm>>
    tpu.enqueue_indirect_dma source(%dma_start3A_77 : memref<8192x8192xf32, #tpu.memory_space<hbm>>) target(%arg6 : memref<8x8192xf32, #tpu.memory_space<vmem>>) offsets(%dma_start3A_74 : memref<8xi32, #tpu.memory_space<vmem>>) semaphore(%arg7 : memref<!tpu.dma_semaphore, #tpu.memory_space<semaphore_mem>>)
    %dma_wait3A_78 = arith.constant 48 : i32
    %dma_wait3A_79 = tpu.memref_slice %arg5[%dma_wait3A_78] : memref<128xi32, #tpu.memory_space<vmem>> -> memref<8xi32, #tpu.memory_space<vmem>>
    %dma_wait3A_80 = arith.constant 0 : i32
    %dma_wait3A_81 = arith.constant 0 : i32
    %dma_wait3A_82 = tpu.memref_slice %arg3[%dma_wait3A_80, %dma_wait3A_81] : memref<8192x8192xf32, #tpu.memory_space<hbm>> -> memref<8192x8192xf32, #tpu.memory_space<hbm>>
    tpu.wait_indirect_dma semaphore(%arg7 : memref<!tpu.dma_semaphore, #tpu.memory_space<semaphore_mem>>) src(%dma_wait3A_82 : memref<8192x8192xf32, #tpu.memory_space<hbm>>) dst(%arg6 : memref<8x8192xf32, #tpu.memory_space<vmem>>)
    %add3A_83 = arith.constant 48 : i32
    %add3A_84 = arith.addi %mul3A_2, %add3A_83 : i32
    "tpu.region"() ({
      %run_scoped3A = tpu.sem_alloc : memref<!tpu.dma_semaphore, #tpu.memory_space<semaphore_mem>>
      %dma_start3A_193 = arith.constant 0 : i32
      %dma_start3A_194 = tpu.memref_slice %arg4[%add3A_84, %dma_start3A_193] : memref<4096x8192xf32, #tpu.memory_space<hbm>> -> memref<8x8192xf32, #tpu.memory_space<hbm>>
      %dma_start3A_195 = arith.constant 0 : i32
      %dma_start3A_196 = tpu.memref_slice %arg4[%add3A_84, %dma_start3A_195] : memref<4096x8192xf32, #tpu.memory_space<hbm>> -> memref<8x8192xf32, #tpu.memory_space<hbm>>
      tpu.enqueue_dma source(%arg6 : memref<8x8192xf32, #tpu.memory_space<vmem>>) target(%dma_start3A_196 : memref<8x8192xf32, #tpu.memory_space<hbm>>) target_semaphore(%run_scoped3A : memref<!tpu.dma_semaphore, #tpu.memory_space<semaphore_mem>>)
      %dma_wait3A_197 = arith.constant 0 : i32
      %dma_wait3A_198 = tpu.memref_slice %arg4[%add3A_84, %dma_wait3A_197] : memref<4096x8192xf32, #tpu.memory_space<hbm>> -> memref<8x8192xf32, #tpu.memory_space<hbm>>
      %dma_wait3A_199 = arith.constant 0 : i32
      %dma_wait3A_200 = tpu.memref_slice %arg4[%add3A_84, %dma_wait3A_199] : memref<4096x8192xf32, #tpu.memory_space<hbm>> -> memref<8x8192xf32, #tpu.memory_space<hbm>>
      tpu.wait_dma2 semaphore(%run_scoped3A : memref<!tpu.dma_semaphore, #tpu.memory_space<semaphore_mem>>) src(%arg6 : memref<8x8192xf32, #tpu.memory_space<vmem>>) dst(%dma_wait3A_200 : memref<8x8192xf32, #tpu.memory_space<hbm>>)
      tpu.yield
    }) : () -> ()
    %dma_start3A_85 = arith.constant 56 : i32
    %dma_start3A_86 = tpu.memref_slice %arg5[%dma_start3A_85] : memref<128xi32, #tpu.memory_space<vmem>> -> memref<8xi32, #tpu.memory_space<vmem>>
    %dma_start3A_87 = arith.constant 0 : i32
    %dma_start3A_88 = arith.constant 0 : i32
    %dma_start3A_89 = tpu.memref_slice %arg3[%dma_start3A_87, %dma_start3A_88] : memref<8192x8192xf32, #tpu.memory_space<hbm>> -> memref<8192x8192xf32, #tpu.memory_space<hbm>>
    tpu.enqueue_indirect_dma source(%dma_start3A_89 : memref<8192x8192xf32, #tpu.memory_space<hbm>>) target(%arg6 : memref<8x8192xf32, #tpu.memory_space<vmem>>) offsets(%dma_start3A_86 : memref<8xi32, #tpu.memory_space<vmem>>) semaphore(%arg7 : memref<!tpu.dma_semaphore, #tpu.memory_space<semaphore_mem>>)
    %dma_wait3A_90 = arith.constant 56 : i32
    %dma_wait3A_91 = tpu.memref_slice %arg5[%dma_wait3A_90] : memref<128xi32, #tpu.memory_space<vmem>> -> memref<8xi32, #tpu.memory_space<vmem>>
    %dma_wait3A_92 = arith.constant 0 : i32
    %dma_wait3A_93 = arith.constant 0 : i32
    %dma_wait3A_94 = tpu.memref_slice %arg3[%dma_wait3A_92, %dma_wait3A_93] : memref<8192x8192xf32, #tpu.memory_space<hbm>> -> memref<8192x8192xf32, #tpu.memory_space<hbm>>
    tpu.wait_indirect_dma semaphore(%arg7 : memref<!tpu.dma_semaphore, #tpu.memory_space<semaphore_mem>>) src(%dma_wait3A_94 : memref<8192x8192xf32, #tpu.memory_space<hbm>>) dst(%arg6 : memref<8x8192xf32, #tpu.memory_space<vmem>>)
    %add3A_95 = arith.constant 56 : i32
    %add3A_96 = arith.addi %mul3A_2, %add3A_95 : i32
    "tpu.region"() ({
      %run_scoped3A = tpu.sem_alloc : memref<!tpu.dma_semaphore, #tpu.memory_space<semaphore_mem>>
      %dma_start3A_193 = arith.constant 0 : i32
      %dma_start3A_194 = tpu.memref_slice %arg4[%add3A_96, %dma_start3A_193] : memref<4096x8192xf32, #tpu.memory_space<hbm>> -> memref<8x8192xf32, #tpu.memory_space<hbm>>
      %dma_start3A_195 = arith.constant 0 : i32
      %dma_start3A_196 = tpu.memref_slice %arg4[%add3A_96, %dma_start3A_195] : memref<4096x8192xf32, #tpu.memory_space<hbm>> -> memref<8x8192xf32, #tpu.memory_space<hbm>>
      tpu.enqueue_dma source(%arg6 : memref<8x8192xf32, #tpu.memory_space<vmem>>) target(%dma_start3A_196 : memref<8x8192xf32, #tpu.memory_space<hbm>>) target_semaphore(%run_scoped3A : memref<!tpu.dma_semaphore, #tpu.memory_space<semaphore_mem>>)
      %dma_wait3A_197 = arith.constant 0 : i32
      %dma_wait3A_198 = tpu.memref_slice %arg4[%add3A_96, %dma_wait3A_197] : memref<4096x8192xf32, #tpu.memory_space<hbm>> -> memref<8x8192xf32, #tpu.memory_space<hbm>>
      %dma_wait3A_199 = arith.constant 0 : i32
      %dma_wait3A_200 = tpu.memref_slice %arg4[%add3A_96, %dma_wait3A_199] : memref<4096x8192xf32, #tpu.memory_space<hbm>> -> memref<8x8192xf32, #tpu.memory_space<hbm>>
      tpu.wait_dma2 semaphore(%run_scoped3A : memref<!tpu.dma_semaphore, #tpu.memory_space<semaphore_mem>>) src(%arg6 : memref<8x8192xf32, #tpu.memory_space<vmem>>) dst(%dma_wait3A_200 : memref<8x8192xf32, #tpu.memory_space<hbm>>)
      tpu.yield
    }) : () -> ()
    %dma_start3A_97 = arith.constant 64 : i32
    %dma_start3A_98 = tpu.memref_slice %arg5[%dma_start3A_97] : memref<128xi32, #tpu.memory_space<vmem>> -> memref<8xi32, #tpu.memory_space<vmem>>
    %dma_start3A_99 = arith.constant 0 : i32
    %dma_start3A_100 = arith.constant 0 : i32
    %dma_start3A_101 = tpu.memref_slice %arg3[%dma_start3A_99, %dma_start3A_100] : memref<8192x8192xf32, #tpu.memory_space<hbm>> -> memref<8192x8192xf32, #tpu.memory_space<hbm>>
    tpu.enqueue_indirect_dma source(%dma_start3A_101 : memref<8192x8192xf32, #tpu.memory_space<hbm>>) target(%arg6 : memref<8x8192xf32, #tpu.memory_space<vmem>>) offsets(%dma_start3A_98 : memref<8xi32, #tpu.memory_space<vmem>>) semaphore(%arg7 : memref<!tpu.dma_semaphore, #tpu.memory_space<semaphore_mem>>)
    %dma_wait3A_102 = arith.constant 64 : i32
    %dma_wait3A_103 = tpu.memref_slice %arg5[%dma_wait3A_102] : memref<128xi32, #tpu.memory_space<vmem>> -> memref<8xi32, #tpu.memory_space<vmem>>
    %dma_wait3A_104 = arith.constant 0 : i32
    %dma_wait3A_105 = arith.constant 0 : i32
    %dma_wait3A_106 = tpu.memref_slice %arg3[%dma_wait3A_104, %dma_wait3A_105] : memref<8192x8192xf32, #tpu.memory_space<hbm>> -> memref<8192x8192xf32, #tpu.memory_space<hbm>>
    tpu.wait_indirect_dma semaphore(%arg7 : memref<!tpu.dma_semaphore, #tpu.memory_space<semaphore_mem>>) src(%dma_wait3A_106 : memref<8192x8192xf32, #tpu.memory_space<hbm>>) dst(%arg6 : memref<8x8192xf32, #tpu.memory_space<vmem>>)
    %add3A_107 = arith.constant 64 : i32
    %add3A_108 = arith.addi %mul3A_2, %add3A_107 : i32
    "tpu.region"() ({
      %run_scoped3A = tpu.sem_alloc : memref<!tpu.dma_semaphore, #tpu.memory_space<semaphore_mem>>
      %dma_start3A_193 = arith.constant 0 : i32
      %dma_start3A_194 = tpu.memref_slice %arg4[%add3A_108, %dma_start3A_193] : memref<4096x8192xf32, #tpu.memory_space<hbm>> -> memref<8x8192xf32, #tpu.memory_space<hbm>>
      %dma_start3A_195 = arith.constant 0 : i32
      %dma_start3A_196 = tpu.memref_slice %arg4[%add3A_108, %dma_start3A_195] : memref<4096x8192xf32, #tpu.memory_space<hbm>> -> memref<8x8192xf32, #tpu.memory_space<hbm>>
      tpu.enqueue_dma source(%arg6 : memref<8x8192xf32, #tpu.memory_space<vmem>>) target(%dma_start3A_196 : memref<8x8192xf32, #tpu.memory_space<hbm>>) target_semaphore(%run_scoped3A : memref<!tpu.dma_semaphore, #tpu.memory_space<semaphore_mem>>)
      %dma_wait3A_197 = arith.constant 0 : i32
      %dma_wait3A_198 = tpu.memref_slice %arg4[%add3A_108, %dma_wait3A_197] : memref<4096x8192xf32, #tpu.memory_space<hbm>> -> memref<8x8192xf32, #tpu.memory_space<hbm>>
      %dma_wait3A_199 = arith.constant 0 : i32
      %dma_wait3A_200 = tpu.memref_slice %arg4[%add3A_108, %dma_wait3A_199] : memref<4096x8192xf32, #tpu.memory_space<hbm>> -> memref<8x8192xf32, #tpu.memory_space<hbm>>
      tpu.wait_dma2 semaphore(%run_scoped3A : memref<!tpu.dma_semaphore, #tpu.memory_space<semaphore_mem>>) src(%arg6 : memref<8x8192xf32, #tpu.memory_space<vmem>>) dst(%dma_wait3A_200 : memref<8x8192xf32, #tpu.memory_space<hbm>>)
      tpu.yield
    }) : () -> ()
    %dma_start3A_109 = arith.constant 72 : i32
    %dma_start3A_110 = tpu.memref_slice %arg5[%dma_start3A_109] : memref<128xi32, #tpu.memory_space<vmem>> -> memref<8xi32, #tpu.memory_space<vmem>>
    %dma_start3A_111 = arith.constant 0 : i32
    %dma_start3A_112 = arith.constant 0 : i32
    %dma_start3A_113 = tpu.memref_slice %arg3[%dma_start3A_111, %dma_start3A_112] : memref<8192x8192xf32, #tpu.memory_space<hbm>> -> memref<8192x8192xf32, #tpu.memory_space<hbm>>
    tpu.enqueue_indirect_dma source(%dma_start3A_113 : memref<8192x8192xf32, #tpu.memory_space<hbm>>) target(%arg6 : memref<8x8192xf32, #tpu.memory_space<vmem>>) offsets(%dma_start3A_110 : memref<8xi32, #tpu.memory_space<vmem>>) semaphore(%arg7 : memref<!tpu.dma_semaphore, #tpu.memory_space<semaphore_mem>>)
    %dma_wait3A_114 = arith.constant 72 : i32
    %dma_wait3A_115 = tpu.memref_slice %arg5[%dma_wait3A_114] : memref<128xi32, #tpu.memory_space<vmem>> -> memref<8xi32, #tpu.memory_space<vmem>>
    %dma_wait3A_116 = arith.constant 0 : i32
    %dma_wait3A_117 = arith.constant 0 : i32
    %dma_wait3A_118 = tpu.memref_slice %arg3[%dma_wait3A_116, %dma_wait3A_117] : memref<8192x8192xf32, #tpu.memory_space<hbm>> -> memref<8192x8192xf32, #tpu.memory_space<hbm>>
    tpu.wait_indirect_dma semaphore(%arg7 : memref<!tpu.dma_semaphore, #tpu.memory_space<semaphore_mem>>) src(%dma_wait3A_118 : memref<8192x8192xf32, #tpu.memory_space<hbm>>) dst(%arg6 : memref<8x8192xf32, #tpu.memory_space<vmem>>)
    %add3A_119 = arith.constant 72 : i32
    %add3A_120 = arith.addi %mul3A_2, %add3A_119 : i32
    "tpu.region"() ({
      %run_scoped3A = tpu.sem_alloc : memref<!tpu.dma_semaphore, #tpu.memory_space<semaphore_mem>>
      %dma_start3A_193 = arith.constant 0 : i32
      %dma_start3A_194 = tpu.memref_slice %arg4[%add3A_120, %dma_start3A_193] : memref<4096x8192xf32, #tpu.memory_space<hbm>> -> memref<8x8192xf32, #tpu.memory_space<hbm>>
      %dma_start3A_195 = arith.constant 0 : i32
      %dma_start3A_196 = tpu.memref_slice %arg4[%add3A_120, %dma_start3A_195] : memref<4096x8192xf32, #tpu.memory_space<hbm>> -> memref<8x8192xf32, #tpu.memory_space<hbm>>
      tpu.enqueue_dma source(%arg6 : memref<8x8192xf32, #tpu.memory_space<vmem>>) target(%dma_start3A_196 : memref<8x8192xf32, #tpu.memory_space<hbm>>) target_semaphore(%run_scoped3A : memref<!tpu.dma_semaphore, #tpu.memory_space<semaphore_mem>>)
      %dma_wait3A_197 = arith.constant 0 : i32
      %dma_wait3A_198 = tpu.memref_slice %arg4[%add3A_120, %dma_wait3A_197] : memref<4096x8192xf32, #tpu.memory_space<hbm>> -> memref<8x8192xf32, #tpu.memory_space<hbm>>
      %dma_wait3A_199 = arith.constant 0 : i32
      %dma_wait3A_200 = tpu.memref_slice %arg4[%add3A_120, %dma_wait3A_199] : memref<4096x8192xf32, #tpu.memory_space<hbm>> -> memref<8x8192xf32, #tpu.memory_space<hbm>>
      tpu.wait_dma2 semaphore(%run_scoped3A : memref<!tpu.dma_semaphore, #tpu.memory_space<semaphore_mem>>) src(%arg6 : memref<8x8192xf32, #tpu.memory_space<vmem>>) dst(%dma_wait3A_200 : memref<8x8192xf32, #tpu.memory_space<hbm>>)
      tpu.yield
    }) : () -> ()
    %dma_start3A_121 = arith.constant 80 : i32
    %dma_start3A_122 = tpu.memref_slice %arg5[%dma_start3A_121] : memref<128xi32, #tpu.memory_space<vmem>> -> memref<8xi32, #tpu.memory_space<vmem>>
    %dma_start3A_123 = arith.constant 0 : i32
    %dma_start3A_124 = arith.constant 0 : i32
    %dma_start3A_125 = tpu.memref_slice %arg3[%dma_start3A_123, %dma_start3A_124] : memref<8192x8192xf32, #tpu.memory_space<hbm>> -> memref<8192x8192xf32, #tpu.memory_space<hbm>>
    tpu.enqueue_indirect_dma source(%dma_start3A_125 : memref<8192x8192xf32, #tpu.memory_space<hbm>>) target(%arg6 : memref<8x8192xf32, #tpu.memory_space<vmem>>) offsets(%dma_start3A_122 : memref<8xi32, #tpu.memory_space<vmem>>) semaphore(%arg7 : memref<!tpu.dma_semaphore, #tpu.memory_space<semaphore_mem>>)
    %dma_wait3A_126 = arith.constant 80 : i32
    %dma_wait3A_127 = tpu.memref_slice %arg5[%dma_wait3A_126] : memref<128xi32, #tpu.memory_space<vmem>> -> memref<8xi32, #tpu.memory_space<vmem>>
    %dma_wait3A_128 = arith.constant 0 : i32
    %dma_wait3A_129 = arith.constant 0 : i32
    %dma_wait3A_130 = tpu.memref_slice %arg3[%dma_wait3A_128, %dma_wait3A_129] : memref<8192x8192xf32, #tpu.memory_space<hbm>> -> memref<8192x8192xf32, #tpu.memory_space<hbm>>
    tpu.wait_indirect_dma semaphore(%arg7 : memref<!tpu.dma_semaphore, #tpu.memory_space<semaphore_mem>>) src(%dma_wait3A_130 : memref<8192x8192xf32, #tpu.memory_space<hbm>>) dst(%arg6 : memref<8x8192xf32, #tpu.memory_space<vmem>>)
    %add3A_131 = arith.constant 80 : i32
    %add3A_132 = arith.addi %mul3A_2, %add3A_131 : i32
    "tpu.region"() ({
      %run_scoped3A = tpu.sem_alloc : memref<!tpu.dma_semaphore, #tpu.memory_space<semaphore_mem>>
      %dma_start3A_193 = arith.constant 0 : i32
      %dma_start3A_194 = tpu.memref_slice %arg4[%add3A_132, %dma_start3A_193] : memref<4096x8192xf32, #tpu.memory_space<hbm>> -> memref<8x8192xf32, #tpu.memory_space<hbm>>
      %dma_start3A_195 = arith.constant 0 : i32
      %dma_start3A_196 = tpu.memref_slice %arg4[%add3A_132, %dma_start3A_195] : memref<4096x8192xf32, #tpu.memory_space<hbm>> -> memref<8x8192xf32, #tpu.memory_space<hbm>>
      tpu.enqueue_dma source(%arg6 : memref<8x8192xf32, #tpu.memory_space<vmem>>) target(%dma_start3A_196 : memref<8x8192xf32, #tpu.memory_space<hbm>>) target_semaphore(%run_scoped3A : memref<!tpu.dma_semaphore, #tpu.memory_space<semaphore_mem>>)
      %dma_wait3A_197 = arith.constant 0 : i32
      %dma_wait3A_198 = tpu.memref_slice %arg4[%add3A_132, %dma_wait3A_197] : memref<4096x8192xf32, #tpu.memory_space<hbm>> -> memref<8x8192xf32, #tpu.memory_space<hbm>>
      %dma_wait3A_199 = arith.constant 0 : i32
      %dma_wait3A_200 = tpu.memref_slice %arg4[%add3A_132, %dma_wait3A_199] : memref<4096x8192xf32, #tpu.memory_space<hbm>> -> memref<8x8192xf32, #tpu.memory_space<hbm>>
      tpu.wait_dma2 semaphore(%run_scoped3A : memref<!tpu.dma_semaphore, #tpu.memory_space<semaphore_mem>>) src(%arg6 : memref<8x8192xf32, #tpu.memory_space<vmem>>) dst(%dma_wait3A_200 : memref<8x8192xf32, #tpu.memory_space<hbm>>)
      tpu.yield
    }) : () -> ()
    %dma_start3A_133 = arith.constant 88 : i32
    %dma_start3A_134 = tpu.memref_slice %arg5[%dma_start3A_133] : memref<128xi32, #tpu.memory_space<vmem>> -> memref<8xi32, #tpu.memory_space<vmem>>
    %dma_start3A_135 = arith.constant 0 : i32
    %dma_start3A_136 = arith.constant 0 : i32
    %dma_start3A_137 = tpu.memref_slice %arg3[%dma_start3A_135, %dma_start3A_136] : memref<8192x8192xf32, #tpu.memory_space<hbm>> -> memref<8192x8192xf32, #tpu.memory_space<hbm>>
    tpu.enqueue_indirect_dma source(%dma_start3A_137 : memref<8192x8192xf32, #tpu.memory_space<hbm>>) target(%arg6 : memref<8x8192xf32, #tpu.memory_space<vmem>>) offsets(%dma_start3A_134 : memref<8xi32, #tpu.memory_space<vmem>>) semaphore(%arg7 : memref<!tpu.dma_semaphore, #tpu.memory_space<semaphore_mem>>)
    %dma_wait3A_138 = arith.constant 88 : i32
    %dma_wait3A_139 = tpu.memref_slice %arg5[%dma_wait3A_138] : memref<128xi32, #tpu.memory_space<vmem>> -> memref<8xi32, #tpu.memory_space<vmem>>
    %dma_wait3A_140 = arith.constant 0 : i32
    %dma_wait3A_141 = arith.constant 0 : i32
    %dma_wait3A_142 = tpu.memref_slice %arg3[%dma_wait3A_140, %dma_wait3A_141] : memref<8192x8192xf32, #tpu.memory_space<hbm>> -> memref<8192x8192xf32, #tpu.memory_space<hbm>>
    tpu.wait_indirect_dma semaphore(%arg7 : memref<!tpu.dma_semaphore, #tpu.memory_space<semaphore_mem>>) src(%dma_wait3A_142 : memref<8192x8192xf32, #tpu.memory_space<hbm>>) dst(%arg6 : memref<8x8192xf32, #tpu.memory_space<vmem>>)
    %add3A_143 = arith.constant 88 : i32
    %add3A_144 = arith.addi %mul3A_2, %add3A_143 : i32
    "tpu.region"() ({
      %run_scoped3A = tpu.sem_alloc : memref<!tpu.dma_semaphore, #tpu.memory_space<semaphore_mem>>
      %dma_start3A_193 = arith.constant 0 : i32
      %dma_start3A_194 = tpu.memref_slice %arg4[%add3A_144, %dma_start3A_193] : memref<4096x8192xf32, #tpu.memory_space<hbm>> -> memref<8x8192xf32, #tpu.memory_space<hbm>>
      %dma_start3A_195 = arith.constant 0 : i32
      %dma_start3A_196 = tpu.memref_slice %arg4[%add3A_144, %dma_start3A_195] : memref<4096x8192xf32, #tpu.memory_space<hbm>> -> memref<8x8192xf32, #tpu.memory_space<hbm>>
      tpu.enqueue_dma source(%arg6 : memref<8x8192xf32, #tpu.memory_space<vmem>>) target(%dma_start3A_196 : memref<8x8192xf32, #tpu.memory_space<hbm>>) target_semaphore(%run_scoped3A : memref<!tpu.dma_semaphore, #tpu.memory_space<semaphore_mem>>)
      %dma_wait3A_197 = arith.constant 0 : i32
      %dma_wait3A_198 = tpu.memref_slice %arg4[%add3A_144, %dma_wait3A_197] : memref<4096x8192xf32, #tpu.memory_space<hbm>> -> memref<8x8192xf32, #tpu.memory_space<hbm>>
      %dma_wait3A_199 = arith.constant 0 : i32
      %dma_wait3A_200 = tpu.memref_slice %arg4[%add3A_144, %dma_wait3A_199] : memref<4096x8192xf32, #tpu.memory_space<hbm>> -> memref<8x8192xf32, #tpu.memory_space<hbm>>
      tpu.wait_dma2 semaphore(%run_scoped3A : memref<!tpu.dma_semaphore, #tpu.memory_space<semaphore_mem>>) src(%arg6 : memref<8x8192xf32, #tpu.memory_space<vmem>>) dst(%dma_wait3A_200 : memref<8x8192xf32, #tpu.memory_space<hbm>>)
      tpu.yield
    }) : () -> ()
    %dma_start3A_145 = arith.constant 96 : i32
    %dma_start3A_146 = tpu.memref_slice %arg5[%dma_start3A_145] : memref<128xi32, #tpu.memory_space<vmem>> -> memref<8xi32, #tpu.memory_space<vmem>>
    %dma_start3A_147 = arith.constant 0 : i32
    %dma_start3A_148 = arith.constant 0 : i32
    %dma_start3A_149 = tpu.memref_slice %arg3[%dma_start3A_147, %dma_start3A_148] : memref<8192x8192xf32, #tpu.memory_space<hbm>> -> memref<8192x8192xf32, #tpu.memory_space<hbm>>
    tpu.enqueue_indirect_dma source(%dma_start3A_149 : memref<8192x8192xf32, #tpu.memory_space<hbm>>) target(%arg6 : memref<8x8192xf32, #tpu.memory_space<vmem>>) offsets(%dma_start3A_146 : memref<8xi32, #tpu.memory_space<vmem>>) semaphore(%arg7 : memref<!tpu.dma_semaphore, #tpu.memory_space<semaphore_mem>>)
    %dma_wait3A_150 = arith.constant 96 : i32
    %dma_wait3A_151 = tpu.memref_slice %arg5[%dma_wait3A_150] : memref<128xi32, #tpu.memory_space<vmem>> -> memref<8xi32, #tpu.memory_space<vmem>>
    %dma_wait3A_152 = arith.constant 0 : i32
    %dma_wait3A_153 = arith.constant 0 : i32
    %dma_wait3A_154 = tpu.memref_slice %arg3[%dma_wait3A_152, %dma_wait3A_153] : memref<8192x8192xf32, #tpu.memory_space<hbm>> -> memref<8192x8192xf32, #tpu.memory_space<hbm>>
    tpu.wait_indirect_dma semaphore(%arg7 : memref<!tpu.dma_semaphore, #tpu.memory_space<semaphore_mem>>) src(%dma_wait3A_154 : memref<8192x8192xf32, #tpu.memory_space<hbm>>) dst(%arg6 : memref<8x8192xf32, #tpu.memory_space<vmem>>)
    %add3A_155 = arith.constant 96 : i32
    %add3A_156 = arith.addi %mul3A_2, %add3A_155 : i32
    "tpu.region"() ({
      %run_scoped3A = tpu.sem_alloc : memref<!tpu.dma_semaphore, #tpu.memory_space<semaphore_mem>>
      %dma_start3A_193 = arith.constant 0 : i32
      %dma_start3A_194 = tpu.memref_slice %arg4[%add3A_156, %dma_start3A_193] : memref<4096x8192xf32, #tpu.memory_space<hbm>> -> memref<8x8192xf32, #tpu.memory_space<hbm>>
      %dma_start3A_195 = arith.constant 0 : i32
      %dma_start3A_196 = tpu.memref_slice %arg4[%add3A_156, %dma_start3A_195] : memref<4096x8192xf32, #tpu.memory_space<hbm>> -> memref<8x8192xf32, #tpu.memory_space<hbm>>
      tpu.enqueue_dma source(%arg6 : memref<8x8192xf32, #tpu.memory_space<vmem>>) target(%dma_start3A_196 : memref<8x8192xf32, #tpu.memory_space<hbm>>) target_semaphore(%run_scoped3A : memref<!tpu.dma_semaphore, #tpu.memory_space<semaphore_mem>>)
      %dma_wait3A_197 = arith.constant 0 : i32
      %dma_wait3A_198 = tpu.memref_slice %arg4[%add3A_156, %dma_wait3A_197] : memref<4096x8192xf32, #tpu.memory_space<hbm>> -> memref<8x8192xf32, #tpu.memory_space<hbm>>
      %dma_wait3A_199 = arith.constant 0 : i32
      %dma_wait3A_200 = tpu.memref_slice %arg4[%add3A_156, %dma_wait3A_199] : memref<4096x8192xf32, #tpu.memory_space<hbm>> -> memref<8x8192xf32, #tpu.memory_space<hbm>>
      tpu.wait_dma2 semaphore(%run_scoped3A : memref<!tpu.dma_semaphore, #tpu.memory_space<semaphore_mem>>) src(%arg6 : memref<8x8192xf32, #tpu.memory_space<vmem>>) dst(%dma_wait3A_200 : memref<8x8192xf32, #tpu.memory_space<hbm>>)
      tpu.yield
    }) : () -> ()
    %dma_start3A_157 = arith.constant 104 : i32
    %dma_start3A_158 = tpu.memref_slice %arg5[%dma_start3A_157] : memref<128xi32, #tpu.memory_space<vmem>> -> memref<8xi32, #tpu.memory_space<vmem>>
    %dma_start3A_159 = arith.constant 0 : i32
    %dma_start3A_160 = arith.constant 0 : i32
    %dma_start3A_161 = tpu.memref_slice %arg3[%dma_start3A_159, %dma_start3A_160] : memref<8192x8192xf32, #tpu.memory_space<hbm>> -> memref<8192x8192xf32, #tpu.memory_space<hbm>>
    tpu.enqueue_indirect_dma source(%dma_start3A_161 : memref<8192x8192xf32, #tpu.memory_space<hbm>>) target(%arg6 : memref<8x8192xf32, #tpu.memory_space<vmem>>) offsets(%dma_start3A_158 : memref<8xi32, #tpu.memory_space<vmem>>) semaphore(%arg7 : memref<!tpu.dma_semaphore, #tpu.memory_space<semaphore_mem>>)
    %dma_wait3A_162 = arith.constant 104 : i32
    %dma_wait3A_163 = tpu.memref_slice %arg5[%dma_wait3A_162] : memref<128xi32, #tpu.memory_space<vmem>> -> memref<8xi32, #tpu.memory_space<vmem>>
    %dma_wait3A_164 = arith.constant 0 : i32
    %dma_wait3A_165 = arith.constant 0 : i32
    %dma_wait3A_166 = tpu.memref_slice %arg3[%dma_wait3A_164, %dma_wait3A_165] : memref<8192x8192xf32, #tpu.memory_space<hbm>> -> memref<8192x8192xf32, #tpu.memory_space<hbm>>
    tpu.wait_indirect_dma semaphore(%arg7 : memref<!tpu.dma_semaphore, #tpu.memory_space<semaphore_mem>>) src(%dma_wait3A_166 : memref<8192x8192xf32, #tpu.memory_space<hbm>>) dst(%arg6 : memref<8x8192xf32, #tpu.memory_space<vmem>>)
    %add3A_167 = arith.constant 104 : i32
    %add3A_168 = arith.addi %mul3A_2, %add3A_167 : i32
    "tpu.region"() ({
      %run_scoped3A = tpu.sem_alloc : memref<!tpu.dma_semaphore, #tpu.memory_space<semaphore_mem>>
      %dma_start3A_193 = arith.constant 0 : i32
      %dma_start3A_194 = tpu.memref_slice %arg4[%add3A_168, %dma_start3A_193] : memref<4096x8192xf32, #tpu.memory_space<hbm>> -> memref<8x8192xf32, #tpu.memory_space<hbm>>
      %dma_start3A_195 = arith.constant 0 : i32
      %dma_start3A_196 = tpu.memref_slice %arg4[%add3A_168, %dma_start3A_195] : memref<4096x8192xf32, #tpu.memory_space<hbm>> -> memref<8x8192xf32, #tpu.memory_space<hbm>>
      tpu.enqueue_dma source(%arg6 : memref<8x8192xf32, #tpu.memory_space<vmem>>) target(%dma_start3A_196 : memref<8x8192xf32, #tpu.memory_space<hbm>>) target_semaphore(%run_scoped3A : memref<!tpu.dma_semaphore, #tpu.memory_space<semaphore_mem>>)
      %dma_wait3A_197 = arith.constant 0 : i32
      %dma_wait3A_198 = tpu.memref_slice %arg4[%add3A_168, %dma_wait3A_197] : memref<4096x8192xf32, #tpu.memory_space<hbm>> -> memref<8x8192xf32, #tpu.memory_space<hbm>>
      %dma_wait3A_199 = arith.constant 0 : i32
      %dma_wait3A_200 = tpu.memref_slice %arg4[%add3A_168, %dma_wait3A_199] : memref<4096x8192xf32, #tpu.memory_space<hbm>> -> memref<8x8192xf32, #tpu.memory_space<hbm>>
      tpu.wait_dma2 semaphore(%run_scoped3A : memref<!tpu.dma_semaphore, #tpu.memory_space<semaphore_mem>>) src(%arg6 : memref<8x8192xf32, #tpu.memory_space<vmem>>) dst(%dma_wait3A_200 : memref<8x8192xf32, #tpu.memory_space<hbm>>)
      tpu.yield
    }) : () -> ()
    %dma_start3A_169 = arith.constant 112 : i32
    %dma_start3A_170 = tpu.memref_slice %arg5[%dma_start3A_169] : memref<128xi32, #tpu.memory_space<vmem>> -> memref<8xi32, #tpu.memory_space<vmem>>
    %dma_start3A_171 = arith.constant 0 : i32
    %dma_start3A_172 = arith.constant 0 : i32
    %dma_start3A_173 = tpu.memref_slice %arg3[%dma_start3A_171, %dma_start3A_172] : memref<8192x8192xf32, #tpu.memory_space<hbm>> -> memref<8192x8192xf32, #tpu.memory_space<hbm>>
    tpu.enqueue_indirect_dma source(%dma_start3A_173 : memref<8192x8192xf32, #tpu.memory_space<hbm>>) target(%arg6 : memref<8x8192xf32, #tpu.memory_space<vmem>>) offsets(%dma_start3A_170 : memref<8xi32, #tpu.memory_space<vmem>>) semaphore(%arg7 : memref<!tpu.dma_semaphore, #tpu.memory_space<semaphore_mem>>)
    %dma_wait3A_174 = arith.constant 112 : i32
    %dma_wait3A_175 = tpu.memref_slice %arg5[%dma_wait3A_174] : memref<128xi32, #tpu.memory_space<vmem>> -> memref<8xi32, #tpu.memory_space<vmem>>
    %dma_wait3A_176 = arith.constant 0 : i32
    %dma_wait3A_177 = arith.constant 0 : i32
    %dma_wait3A_178 = tpu.memref_slice %arg3[%dma_wait3A_176, %dma_wait3A_177] : memref<8192x8192xf32, #tpu.memory_space<hbm>> -> memref<8192x8192xf32, #tpu.memory_space<hbm>>
    tpu.wait_indirect_dma semaphore(%arg7 : memref<!tpu.dma_semaphore, #tpu.memory_space<semaphore_mem>>) src(%dma_wait3A_178 : memref<8192x8192xf32, #tpu.memory_space<hbm>>) dst(%arg6 : memref<8x8192xf32, #tpu.memory_space<vmem>>)
    %add3A_179 = arith.constant 112 : i32
    %add3A_180 = arith.addi %mul3A_2, %add3A_179 : i32
    "tpu.region"() ({
      %run_scoped3A = tpu.sem_alloc : memref<!tpu.dma_semaphore, #tpu.memory_space<semaphore_mem>>
      %dma_start3A_193 = arith.constant 0 : i32
      %dma_start3A_194 = tpu.memref_slice %arg4[%add3A_180, %dma_start3A_193] : memref<4096x8192xf32, #tpu.memory_space<hbm>> -> memref<8x8192xf32, #tpu.memory_space<hbm>>
      %dma_start3A_195 = arith.constant 0 : i32
      %dma_start3A_196 = tpu.memref_slice %arg4[%add3A_180, %dma_start3A_195] : memref<4096x8192xf32, #tpu.memory_space<hbm>> -> memref<8x8192xf32, #tpu.memory_space<hbm>>
      tpu.enqueue_dma source(%arg6 : memref<8x8192xf32, #tpu.memory_space<vmem>>) target(%dma_start3A_196 : memref<8x8192xf32, #tpu.memory_space<hbm>>) target_semaphore(%run_scoped3A : memref<!tpu.dma_semaphore, #tpu.memory_space<semaphore_mem>>)
      %dma_wait3A_197 = arith.constant 0 : i32
      %dma_wait3A_198 = tpu.memref_slice %arg4[%add3A_180, %dma_wait3A_197] : memref<4096x8192xf32, #tpu.memory_space<hbm>> -> memref<8x8192xf32, #tpu.memory_space<hbm>>
      %dma_wait3A_199 = arith.constant 0 : i32
      %dma_wait3A_200 = tpu.memref_slice %arg4[%add3A_180, %dma_wait3A_199] : memref<4096x8192xf32, #tpu.memory_space<hbm>> -> memref<8x8192xf32, #tpu.memory_space<hbm>>
      tpu.wait_dma2 semaphore(%run_scoped3A : memref<!tpu.dma_semaphore, #tpu.memory_space<semaphore_mem>>) src(%arg6 : memref<8x8192xf32, #tpu.memory_space<vmem>>) dst(%dma_wait3A_200 : memref<8x8192xf32, #tpu.memory_space<hbm>>)
      tpu.yield
    }) : () -> ()
    %dma_start3A_181 = arith.constant 120 : i32
    %dma_start3A_182 = tpu.memref_slice %arg5[%dma_start3A_181] : memref<128xi32, #tpu.memory_space<vmem>> -> memref<8xi32, #tpu.memory_space<vmem>>
    %dma_start3A_183 = arith.constant 0 : i32
    %dma_start3A_184 = arith.constant 0 : i32
    %dma_start3A_185 = tpu.memref_slice %arg3[%dma_start3A_183, %dma_start3A_184] : memref<8192x8192xf32, #tpu.memory_space<hbm>> -> memref<8192x8192xf32, #tpu.memory_space<hbm>>
    tpu.enqueue_indirect_dma source(%dma_start3A_185 : memref<8192x8192xf32, #tpu.memory_space<hbm>>) target(%arg6 : memref<8x8192xf32, #tpu.memory_space<vmem>>) offsets(%dma_start3A_182 : memref<8xi32, #tpu.memory_space<vmem>>) semaphore(%arg7 : memref<!tpu.dma_semaphore, #tpu.memory_space<semaphore_mem>>)
    %dma_wait3A_186 = arith.constant 120 : i32
    %dma_wait3A_187 = tpu.memref_slice %arg5[%dma_wait3A_186] : memref<128xi32, #tpu.memory_space<vmem>> -> memref<8xi32, #tpu.memory_space<vmem>>
    %dma_wait3A_188 = arith.constant 0 : i32
    %dma_wait3A_189 = arith.constant 0 : i32
    %dma_wait3A_190 = tpu.memref_slice %arg3[%dma_wait3A_188, %dma_wait3A_189] : memref<8192x8192xf32, #tpu.memory_space<hbm>> -> memref<8192x8192xf32, #tpu.memory_space<hbm>>
    tpu.wait_indirect_dma semaphore(%arg7 : memref<!tpu.dma_semaphore, #tpu.memory_space<semaphore_mem>>) src(%dma_wait3A_190 : memref<8192x8192xf32, #tpu.memory_space<hbm>>) dst(%arg6 : memref<8x8192xf32, #tpu.memory_space<vmem>>)
    %add3A_191 = arith.constant 120 : i32
    %add3A_192 = arith.addi %mul3A_2, %add3A_191 : i32
    "tpu.region"() ({
      %run_scoped3A = tpu.sem_alloc : memref<!tpu.dma_semaphore, #tpu.memory_space<semaphore_mem>>
      %dma_start3A_193 = arith.constant 0 : i32
      %dma_start3A_194 = tpu.memref_slice %arg4[%add3A_192, %dma_start3A_193] : memref<4096x8192xf32, #tpu.memory_space<hbm>> -> memref<8x8192xf32, #tpu.memory_space<hbm>>
      %dma_start3A_195 = arith.constant 0 : i32
      %dma_start3A_196 = tpu.memref_slice %arg4[%add3A_192, %dma_start3A_195] : memref<4096x8192xf32, #tpu.memory_space<hbm>> -> memref<8x8192xf32, #tpu.memory_space<hbm>>
      tpu.enqueue_dma source(%arg6 : memref<8x8192xf32, #tpu.memory_space<vmem>>) target(%dma_start3A_196 : memref<8x8192xf32, #tpu.memory_space<hbm>>) target_semaphore(%run_scoped3A : memref<!tpu.dma_semaphore, #tpu.memory_space<semaphore_mem>>)
      %dma_wait3A_197 = arith.constant 0 : i32
      %dma_wait3A_198 = tpu.memref_slice %arg4[%add3A_192, %dma_wait3A_197] : memref<4096x8192xf32, #tpu.memory_space<hbm>> -> memref<8x8192xf32, #tpu.memory_space<hbm>>
      %dma_wait3A_199 = arith.constant 0 : i32
      %dma_wait3A_200 = tpu.memref_slice %arg4[%add3A_192, %dma_wait3A_199] : memref<4096x8192xf32, #tpu.memory_space<hbm>> -> memref<8x8192xf32, #tpu.memory_space<hbm>>
      tpu.wait_dma2 semaphore(%run_scoped3A : memref<!tpu.dma_semaphore, #tpu.memory_space<semaphore_mem>>) src(%arg6 : memref<8x8192xf32, #tpu.memory_space<vmem>>) dst(%dma_wait3A_200 : memref<8x8192xf32, #tpu.memory_space<hbm>>)
      tpu.yield
    }) : () -> ()
    return
  }
}

</mosaic_0001>

<sc_bundles>
// kernel: _lookup.3.cloned.1.call-start
scs
__scs_entry_jumppad:
0x0: {  	(pc) =	sbr.rel $0x88, $3  }
0x1: {  	(tag) =	ssettag $0x0;
	lr =	simm.s32 $0x1  }
0x2: {  	[smem:$0x3F9F] =	sst lr;
	_ =	strace $0xD0000000  }
0x3: {  	_ = 	snop  }
0x4: {  	_ = 	snop  }
0x5: {  	_ = 	snop  }
0x6: {  	_ = 	snop  }
0x7: {  	_ = 	snop  }
__scs_overlays_trampoline_lowered:
0x8: {  	[smem:$0x3FAE] =	sst s0  }
0x9: {  	[smem:$0x3FAF] =	sst s1  }
0xa: {  	[smem:$0x3FB0] =	sst s2  }
0xb: {  	[smem:$0x3FB1] =	sst s3  }
0xc: {  	[smem:$0x3FB2] =	sst s4  }
0xd: {  	[smem:$0x3FB3] =	sst s5  }
0xe: {  	[smem:$0x3FB4] =	sst s6  }
0xf: {  	[smem:$0x3FB5] =	sst s7  }
0x10: {  	[smem:$0x3FB6] =	sst s8  }
0x11: {  	[smem:$0x3FB7] =	sst s9;
	s0 =	simm.s32 @!p0 $0x0  }
0x12: {  	s1 =	sld [smem:$0x3F9D];
	s0 =	simm.s32 @p0 $0x1  }
0x13: {  	[smem:$0x3FB8] =	sst s0;
	s0 =	simm.s32 @!p1 $0x0  }
0x14: {  	s2 =	sld [smem:$0x3F9C];
	s0 =	simm.s32 @p1 $0x1  }
0x15: {  	[smem:$0x3FB9] =	sst s0;
	s0 =	simm.s32 @!p2 $0x0  }
0x16: {  	s3 =	sld [smem:$0x3FDB];
	s0 =	simm.s32 @p2 $0x1  }
0x17: {  	s4 =	simm.s32 $0x1BF5;
	[smem:$0x3FBB] =	sst s0  }
0x18: {  	s0 =	sld [smem:$0x3F9E];
	_ =	swait.ge [sflag:s4], $0x0  }
0x19: {  	s7 =	sld [smem:$0x3F9F]  }
0x1a: {  	s8 =	sadd.s32 $0xFFFFE003, lr  }
0x1b: {  	s9 =	sadd.s32 $0xFFFFFEF7, lr;
	s5 =	simm.s32 $0xFFFFFFFF;
	p2 =	slt.u32 s8, $0xFFFFF086  }
0x1c: {  	p1 =	slt.u32 s9, $0xF7A;
	s5 =	simm.s32 @!p2 $0x0  }
0x1d: {  	s5 =	simm.s32 @p1 $0x1;
	p0 =	seq.s32 s7, s2  }
0x1e: {  	s7 =	smul.u32 @!p0 $0xF7A, s2;
	p2 =	seq.s32 @!p0 s5, $0x0  }
0x1f: {  	s9 =	smul.u32 $0xF7A, s1;
	s8 =	simm.s32 @!p0 $0x1BF5;
	p2 =	por !p2, p0  }
0x20: {  	[sflag:s8] =	ssyncset.s32 @!p0 $0xFFFFF086;
	s6 =	sadd.s32 @!p0 s3, s7;
	s7 =	simm.s32 @!p0 $0x108  }
0x21: {  	s3 =	sadd.s32 s3, s9;
	s6 =	sadd.s32 @!p0 $0x88, s6;
	s7 =	simm.s32 @p2 $0x1082  }
0x22: {  	[simem:s7], [sflag:s8] =	dma.local @!p0 [hbm:s6], $0xF7A  }
0x23: {  	s9 =	sor.u32 $0xD0000000, s2;
	s6 =	simm.s32 $0x108;
	_ =	swait.ge @!p0 [sflag:s8], $0x0  }
0x24: {  	s3 =	sadd.s32 $0x88, s3;
	s6 =	simm.s32 @!p1 $0x1082;
	[sflag:s4] =	ssyncset.s32 $0xFFFFF086  }
0x25: {  	[simem:s6], [sflag:s4] =	dma.local [hbm:s3], $0xF7A  }
0x26: {  	[smem:$0x3F9F] =	sst s1;
	(tag) =	ssettag s2;
	_ =	strace s9  }
0x27: {  	s1 =	sld [smem:$0x3FAF]  }
0x28: {  	s2 =	sld [smem:$0x3FB0]  }
0x29: {  	s4 =	sld [smem:$0x3FB2]  }
0x2a: {  	p0 =	seq.s32 s5, $0x0;
	s5 =	sld [smem:$0x3FB3]  }
0x2b: {  	s6 =	sld [smem:$0x3FB4]  }
0x2c: {  	s7 =	sld [smem:$0x3FB5]  }
0x2d: {  	s3 =	simm.s32 $0x108;
	s8 =	sld [smem:$0x3FB6]  }
0x2e: {  	s3 =	simm.s32 @!p0 $0x1082;
	s9 =	sld [smem:$0x3FB7]  }
0x2f: {  	lr =	sadd.s32 s0, s3;
	s0 =	sld [smem:$0x3FAE]  }
0x30: {  	s3 =	sld [smem:$0x3FB1]  }
0x31: {  	[smem:$0x3FBA] =	sst s10  }
0x32: {  	s10 =	sld [smem:$0x3FB8];
	_ =	sdelay $0x3  }
0x33: {  	p0 =	seq.s32 s10, $0x1;
	s10 =	sld [smem:$0x3FBA];
	_ =	sdelay $0x3  }
0x34: {  	[smem:$0x3FBA] =	sst s10  }
0x35: {  	s10 =	sld [smem:$0x3FB9];
	_ =	sdelay $0x3  }
0x36: {  	p1 =	seq.s32 s10, $0x1;
	s10 =	sld [smem:$0x3FBA];
	_ =	sdelay $0x3  }
0x37: {  	[smem:$0x3FBA] =	sst s10  }
0x38: {  	s10 =	sld [smem:$0x3FBB]  }
0x39: {  	_ = 	snop;
	(pc) =	sbr.ind lr, $3  }
0x3a: {  	_ = 	snop  }
0x3b: {  	_ = 	snop  }
0x3c: {  	p2 =	seq.s32 s10, $0x1;
	s10 =	sld [smem:$0x3FBA]  }
0x3d: {  	_ =	shalt  }
0x3e: {  	_ =	shalt  }
0x3f: {  	_ =	shalt  }
0x40: {  	_ =	shalt  }
0x41: {  	_ =	shalt  }
0x42: {  	_ =	shalt  }
0x43: {  	_ =	shalt  }
0x44: {  	_ =	shalt  }
0x45: {  	_ =	shalt  }
0x46: {  	_ =	shalt  }
0x47: {  	_ =	shalt  }
0x48: {  	_ =	shalt  }
0x49: {  	_ =	shalt  }
0x4a: {  	_ =	shalt  }
0x4b: {  	_ =	shalt  }
0x4c: {  	_ =	shalt  }
0x4d: {  	_ =	shalt  }
0x4e: {  	_ =	shalt  }
0x4f: {  	_ =	shalt  }
0x50: {  	_ =	shalt  }
0x51: {  	_ =	shalt  }
0x52: {  	_ =	shalt  }
0x53: {  	_ =	shalt  }
0x54: {  	_ =	shalt  }
0x55: {  	_ =	shalt  }
0x56: {  	_ =	shalt  }
0x57: {  	_ =	shalt  }
0x58: {  	_ =	shalt  }
0x59: {  	_ =	shalt  }
0x5a: {  	_ =	shalt  }
0x5b: {  	_ =	shalt  }
0x5c: {  	_ =	shalt  }
0x5d: {  	_ =	shalt  }
0x5e: {  	_ =	shalt  }
0x5f: {  	_ =	shalt  }
0x60: {  	_ =	shalt  }
0x61: {  	_ =	shalt  }
0x62: {  	_ =	shalt  }
0x63: {  	_ =	shalt  }
0x64: {  	_ =	shalt  }
0x65: {  	_ =	shalt  }
0x66: {  	_ =	shalt  }
0x67: {  	_ =	shalt  }
0x68: {  	_ =	shalt  }
0x69: {  	_ =	shalt  }
0x6a: {  	_ =	shalt  }
0x6b: {  	_ =	shalt  }
0x6c: {  	_ =	shalt  }
0x6d: {  	_ =	shalt  }
0x6e: {  	_ =	shalt  }
0x6f: {  	_ =	shalt  }
0x70: {  	_ =	shalt  }
0x71: {  	_ =	shalt  }
0x72: {  	_ =	shalt  }
0x73: {  	_ =	shalt  }
0x74: {  	_ =	shalt  }
0x75: {  	_ =	shalt  }
0x76: {  	_ =	shalt  }
0x77: {  	_ =	shalt  }
0x78: {  	_ =	shalt  }
0x79: {  	_ =	shalt  }
0x7a: {  	_ =	shalt  }
0x7b: {  	_ =	shalt  }
0x7c: {  	_ =	shalt  }
0x7d: {  	_ =	shalt  }
0x7e: {  	_ =	shalt  }
0x7f: {  	_ =	shalt  }
0x80: {  	_ =	shalt  }
0x81: {  	_ =	shalt  }
0x82: {  	_ =	shalt  }
0x83: {  	_ =	shalt  }
0x84: {  	_ =	shalt  }
0x85: {  	_ =	shalt  }
0x86: {  	_ =	shalt  }
0x87: {  	_ =	shalt  }
.Lfunc_end0:
.L_simem_size_0:
called_computation_lowered:
.L_overlay_start_0:
0x88: {  	s2 =	sld [smem:$0x3FD9]  }
0x89: {  	s3 =	sld [smem:$0x3FFE];
	_ =	sdelay $0x1  }
0x8a: {  	s1 =	srdreg.scid  }
0x8b: {  	s0 =	sand.u32 $0x1, s1  }
0x8c: {  	s18 =	sshll.u32 s0, $0xA;
	s2 =	sadd.s32 s3, s2  }
0x8d: {  	s2 =	sadd.s32 s2, s18  }
0x8e: {  	[smem:$0x3FC6] =	sst s2  }
0x8f: {  	_ = 	snop  }
0x90: {  	s2 =	sld [smem:$0x3FC9]  }
0x91: {  	s19 =	sld [smem:$0x3FC8]  }
0x92: {  	s4 =	sld [smem:$0x3FD0];
	(tm) =	ssettm $0x1  }
0x93: {  	s5 =	sld [smem:$0x3FFB];
	_ =	sdelay $0x3  }
0x94: {  	_ =	strace s5  }
0x95: {  	s5 =	sld [smem:$0x3FFC];
	_ =	sdelay $0x3  }
0x96: {  	_ =	strace s5  }
0x97: {  	s5 =	sld [smem:$0x3FFD];
	_ =	sdelay $0x3  }
0x98: {  	_ =	strace s5  }
0x99: {  	_ =	strace $0x8FFFFFFF  }
0x9a: {  	s20 =	sld [smem:$0x3FDB];
	_ =	sdelay $0x1  }
0x9b: {  	s6 =	simm.s32 $_scs_section_size  }
0x9c: {  	s7 =	simm.s32 $_size__tile_overlayer_lowered;
	s8 =	simm.s32 $_tile_overlayer_lowered  }
0x9d: {  	s23 =	simm.s32 $0x1BFF;
	s22 =	sshll.u32 s8, $0x1;
	s5 =	sadd.s32 s6, s20  }
0x9e: {  	s9 =	simm.s32 $0x0;
	s21 =	sshll.u32 s7, $0x1;
	s7 =	sadd.s32 s22, s5  }
0x9f: {  	[timem:s9], [sflag:s23] =	dma.local [hbm:s7], s21  }
0xa0: {  	_ =	swait.ge [sflag:s23], s21  }
0xa1: {  	s6 =	ssub.s32 $0x0, s21;
	[sflag:s23] =	ssyncset.done $0x0  }
0xa2: {  	[sflag:s23] =	ssyncadd.s32 s6;
	_ =	sdelay $0x1  }
0xa3: {  	s24 =	simm.s32 $0x1B8B  }
0xa4: {  	_ =	swait.ge [sflag:s24], $0x1  }
0xa5: {  	[sflag:s24] =	ssyncset.done $0x0  }
0xa6: {  	s25 =	simm.s32 $0x1B8E;
	[sflag:s24] =	ssyncadd.s32 $0xFFFFFFFF  }
0xa7: {  	s26 =	simm.s32 $execute0_lowered;
	[smem:$0x3FD2] =	sst s25  }
0xa8: {  	s6 =	sshll.u32 s26, $0x1;
	_ =	strace $0x80000046;
	[dreg:$0x1] =	wrdreg $0xFFFFFFFF  }
0xa9: {  	s28 =	simm.s32 $_size_execute0_lowered;
	s5 =	sadd.s32 s5, s6;
	[dreg:$0x0] =	wrdreg $0x0  }
0xaa: {  	s6 =	sshll.u32 s28, $0x1;
	[dreg:$0x2] =	wrdreg s5  }
0xab: {  	[dreg:$0x3] =	wrdreg s6  }
0xac: {  	[dreg:$0x4] =	wrdreg $0xC0  }
0xad: {  	_ =	task [dreg:s9], $0x5FFFF  }
0xae: {  	[dreg:$0x1] =	wrdreg $0xFFFFFFFF  }
0xaf: {  	[dreg:$0x0] =	wrdreg $0x60  }
0xb0: {  	[dreg:$0x2] =	wrdreg s2  }
0xb1: {  	[dreg:$0x3] =	wrdreg s19  }
0xb2: {  	[dreg:$0x4] =	wrdreg s4  }
0xb3: {  	[dreg:$0x5] =	wrdreg $0x9  }
0xb4: {  	_ =	task.clear_ibuf [dreg:s9], $0x6FFFF;
	_ =	strace $0x90000046  }
0xb5: {  	s29 =	simm.s32 $0x9;
	_ =	strace $0x80000048  }
0xb6: {  	_ =	swait.ge [sflag:s29], $0x1  }
0xb7: {  	[sflag:s29] =	ssyncadd.s32 $0xFFFFFFFF  }
0xb8: {  	_ =	strace $0x90000048  }
0xb9: {  	_ =	sfence  }
0xba: {  	s30 =	sld [smem:$0x0];
	_ =	sdelay $0x2  }
0xbb: {  	s31 =	sshll.u32 s1, $0xD;
	s1 =	sshrl.u32 s1, $0x2  }
0xbc: {  	s3 =	sand.u32 $0x4000, s31;
	s1 =	sadd.s32 s1, s30  }
0xbd: {  	s0 =	sor.u32 s3, s0;
	s1 =	sshll.u32 s1, $0x11  }
0xbe: {  	s0 =	sor.u32 s1, s0  }
0xbf: {  	s0 =	sadd.s32 $0x8F2B, s0  }
0xc0: {  	[sflag:s0] =	ssyncadd.remote.s32 $0x1  }
0xc1: {  	_ =	sfence.sel $0xFFFF  }
0xc2: {  	[dreg:$0x0] =	wrdreg $0xFFFFFFFF;
	(pc) =	sbr.abs _section_cstart, $3  }
0xc3: {  	[dreg:$0x1] =	wrdreg $0xFFFFFFFF  }
0xc4: {  	_ =	task.clear_ibuf [dreg:s9], $0x2FFFF;
	_ =	strace $0x9FFFFFFF  }
0xc5: {  	(tm) =	ssettm $0x7FFFFFFF  }
tec
execute0_lowered:
.L_overlay_start_1:
0x0: {  	(tag) =	ssettag $0x1  }
0x1: {  	s0 =	rddreg [dreg:$0x0]  }
0x2: {  	s8 =	rddreg [dreg:$0x1];
	s3 =	stileid.u32  }
0x3: {  	s2 =	rddreg [dreg:$0x2];
	s4 =	sshll.u32 s3, $0x8;
	s3 =	simm.s32 $0x0  }
0x4: {  	s9 =	sadd.s32 $0x100, s8;
	[smem:$0x7FF] =	sst s3  }
0x5: {  	s11 =	sadd.s32 $0x200, s8;
	_ =	strace $0x80000047;
	[dreg:$0x14] =	wrdreg s9  }
0x6: {  	s12 =	sadd.s32 $0x300, s8;
	[dreg:$0x15] =	wrdreg s11  }
0x7: {  	s13 =	sadd.s32 $0x400, s8;
	[dreg:$0x16] =	wrdreg s12  }
0x8: {  	s14 =	sadd.s32 $0x500, s8;
	[dreg:$0x18] =	wrdreg s13  }
0x9: {  	s16 =	sadd.s32 $0x600, s8;
	[dreg:$0x19] =	wrdreg s14  }
0xa: {  	s18 =	sadd.s32 $0x700, s8;
	[dreg:$0x1a] =	wrdreg s16  }
0xb: {  	s20 =	sadd.s32 $0x800, s8;
	[dreg:$0x1b] =	wrdreg s18  }
0xc: {  	s22 =	sadd.s32 $0x900, s8;
	[dreg:$0x1c] =	wrdreg s20  }
0xd: {  	s24 =	sadd.s32 $0xA00, s8;
	[dreg:$0x1d] =	wrdreg s22  }
0xe: {  	s26 =	sadd.s32 $0xB00, s8;
	[dreg:$0x1e] =	wrdreg s24  }
0xf: {  	s29 =	sadd.s32 $0xC00, s8;
	[dreg:$0x1f] =	wrdreg s26  }
0x10: {  	s31 =	sadd.s32 $0xD00, s8;
	[smem:$0x7EA] =	sst s29  }
0x11: {  	[smem:$0x7EB] =	sst s31;
	s9 =	sadd.s32 $0xF00, s8  }
0x12: {  	s11 =	sadd.s32 $0x1000, s8;
	[smem:$0x7ED] =	sst s9  }
0x13: {  	s13 =	sadd.s32 $0x1100, s8;
	[smem:$0x7EE] =	sst s11  }
0x14: {  	s20 =	sadd.s32 $0x1500, s8;
	[smem:$0x7EF] =	sst s13  }
0x15: {  	s1 =	srdreg.scid;
	s22 =	sadd.s32 $0x1700, s8;
	[smem:$0x7F3] =	sst s20  }
0x16: {  	s1 =	sand.u32 $0x1, s1;
	s24 =	sadd.s32 $0x1900, s8;
	[smem:$0x7F5] =	sst s22  }
0x17: {  	s5 =	sshll.u32 s1, $0x7;
	s26 =	sadd.s32 $0x1B00, s8;
	[smem:$0x7F7] =	sst s24  }
0x18: {  	s4 =	sor.u32 s5, s4;
	s29 =	sadd.s32 $0x1D00, s8;
	[smem:$0x7F9] =	sst s26  }
0x19: {  	s31 =	sadd.s32 $0x1F00, s8;
	s6 =	sshrl.u32 s4, $0x3;
	[smem:$0x7FB] =	sst s29  }
0x1a: {  	[smem:$0x7FD] =	sst s31;
	s0 =	sadd.s32 s0, s6  }
0x1b: {  	s10 =	sshll.u32 s4, $0xA;
	s6 =	sadd.s32 $0xE00, s8;
	[dreg:$0x4] =	wrdreg s0  }
0x1c: {  	s2 =	sadd.s32 s2, s10;
	[smem:$0x7EC] =	sst s6  }
0x1d: {  	s15 =	sadd.s32 $0x2000, s2;
	[dreg:$0x17] =	wrdreg s2  }
0x1e: {  	s17 =	sadd.s32 $0x4000, s2;
	[dreg:$0x5] =	wrdreg s15  }
0x1f: {  	s19 =	sadd.s32 $0x6000, s2;
	[dreg:$0x6] =	wrdreg s17  }
0x20: {  	s21 =	sadd.s32 $0x8000, s2;
	[dreg:$0x7] =	wrdreg s19  }
0x21: {  	s23 =	sadd.s32 $0xA000, s2;
	[dreg:$0x8] =	wrdreg s21  }
0x22: {  	s25 =	sadd.s32 $0xC000, s2;
	[dreg:$0x9] =	wrdreg s23  }
0x23: {  	s28 =	sadd.s32 $0xE000, s2;
	[dreg:$0xa] =	wrdreg s25  }
0x24: {  	s1 =	ssub.s32 $0x2, s1;
	s30 =	sadd.s32 $0x10000, s2;
	[dreg:$0xb] =	wrdreg s28  }
0x25: {  	s7 =	sshrl.u32 s1, $0x1;
	s5 =	sadd.s32 $0x12000, s2;
	[dreg:$0xc] =	wrdreg s30  }
0x26: {  	s1 =	ssub.s32 s1, s7;
	s7 =	sadd.s32 $0x14000, s2;
	[dreg:$0xd] =	wrdreg s5  }
0x27: {  	s10 =	sadd.s32 $0x16000, s2;
	[dreg:$0xe] =	wrdreg s7  }
0x28: {  	s12 =	sadd.s32 $0x18000, s2;
	[dreg:$0xf] =	wrdreg s10  }
0x29: {  	s14 =	sadd.s32 $0x1A000, s2;
	[dreg:$0x10] =	wrdreg s12  }
0x2a: {  	s16 =	sadd.s32 $0x1C000, s2;
	[dreg:$0x11] =	wrdreg s14  }
0x2b: {  	s18 =	sadd.s32 $0x1E000, s2;
	[dreg:$0x12] =	wrdreg s16  }
0x2c: {  	s15 =	sadd.s32 $0x1200, s8;
	[dreg:$0x13] =	wrdreg s18  }
0x2d: {  	s17 =	sadd.s32 $0x1300, s8;
	[smem:$0x7F0] =	sst s15  }
0x2e: {  	s19 =	sadd.s32 $0x1400, s8;
	[smem:$0x7F1] =	sst s17  }
0x2f: {  	s21 =	sadd.s32 $0x1600, s8;
	[smem:$0x7F2] =	sst s19  }
0x30: {  	s23 =	sadd.s32 $0x1800, s8;
	[smem:$0x7F4] =	sst s21  }
0x31: {  	s25 =	sadd.s32 $0x1A00, s8;
	[smem:$0x7F6] =	sst s23  }
0x32: {  	v0 =	vlaneseq.u32;
	s28 =	sadd.s32 $0x1C00, s8;
	[smem:$0x7F8] =	sst s25  }
0x33: {  	v1 =	vshrl.u32 v0, $0x3;
	s30 =	sadd.s32 $0x1E00, s8;
	[smem:$0x7FA] =	sst s28  }
0x34: {  	vm0 =	vmmov $0xffff;
	v0 =	vand.u32 $0x7, v0;
	v1 =	vmul.u32 $0x8, v1;
	s9 =	smax.u32 s1, $0x1;
	[smem:$0x7FC] =	sst s30  }
.LBB2_1:
0x35: {  	[smem:$0x7E9] =	sst s9  }
0x36: {  	s12 =	rddreg [dreg:$0x4];
	s0 =	simm.s32 $0x2  }
0x37: {  	[tilespmem:s3], [sflag:$0x2] =	stream.linear.gather [hbm4b:s12+s3], $0x80, $0x38;
	[tilespmem:$0x10080] =	vst v63  }
0x38: {  	_ =	swait.ge [sflag:s0], $0x80  }
0x39: {  	[sflag:s0] =	ssyncset.done $0x0  }
0x3a: {  	[sflag:s0] =	ssyncadd.s32 $0xFFFFFF80  }
0x3b: {  	v2 =	vld.msk [tilespmem:$0x0], $0xff;
	_ =	sdelay $0x4  }
0x3c: {  	v3 =	vshll.u32 v2, $0x6  }
0x3d: {  	v2 =	vand.u32 $0x7, v2;
	v3 =	vand.u32 $0xFFFFFE00, v3  }
0x3e: {  	v2 =	vor.u32 v2, v3  }
0x3f: {  	v2 =	vperm.xlane v2, v0;
	_ =	sdelay $0x1  }
0x40: {  	v2 =	vadd.s32 v1, v2;
	_ =	sdelay $0x2  }
0x41: {  	s7 =	rddreg [dreg:$0x14]  }
0x42: {  	s13 =	simm.s32 $0x80;
	s29 =	rddreg [dreg:$0x1]  }
0x43: {  	[tilespmem:s13], [sflag:$0x1] =	stream.indirect_vreg.gather [hbm4b:s29+s3], $0x80, v2, vm0, $0xb8;
	[tilespmem:$0x10080] =	vst v63  }
0x44: {  	s14 =	simm.s32 $0x880;
	s1 =	rddreg [dreg:$0x15]  }
0x45: {  	[tilespmem:s14], [sflag:$0x1] =	stream.indirect_vreg.gather [hbm4b:s7+s3], $0x80, v2, vm0, $0xb8;
	[tilespmem:$0x10080] =	vst v63  }
0x46: {  	s15 =	simm.s32 $0x1080;
	s16 =	rddreg [dreg:$0x16]  }
0x47: {  	[tilespmem:s15], [sflag:$0x1] =	stream.indirect_vreg.gather [hbm4b:s1+s3], $0x80, v2, vm0, $0xb8;
	[tilespmem:$0x10080] =	vst v63  }
0x48: {  	s17 =	simm.s32 $0x1880;
	s25 =	rddreg [dreg:$0x18]  }
0x49: {  	[tilespmem:s17], [sflag:$0x1] =	stream.indirect_vreg.gather [hbm4b:s16+s3], $0x80, v2, vm0, $0xb8;
	[tilespmem:$0x10080] =	vst v63  }
0x4a: {  	s18 =	simm.s32 $0x2080;
	s11 =	rddreg [dreg:$0x19]  }
0x4b: {  	[tilespmem:s18], [sflag:$0x1] =	stream.indirect_vreg.gather [hbm4b:s25+s3], $0x80, v2, vm0, $0xb8;
	[tilespmem:$0x10080] =	vst v63  }
0x4c: {  	s19 =	simm.s32 $0x2880;
	s22 =	rddreg [dreg:$0x1a]  }
0x4d: {  	[tilespmem:s19], [sflag:$0x1] =	stream.indirect_vreg.gather [hbm4b:s11+s3], $0x80, v2, vm0, $0xb8;
	[tilespmem:$0x10080] =	vst v63  }
0x4e: {  	s20 =	simm.s32 $0x3080;
	s23 =	rddreg [dreg:$0x1b]  }
0x4f: {  	[tilespmem:s20], [sflag:$0x1] =	stream.indirect_vreg.gather [hbm4b:s22+s3], $0x80, v2, vm0, $0xb8;
	[tilespmem:$0x10080] =	vst v63  }
0x50: {  	s21 =	simm.s32 $0x3880;
	s26 =	rddreg [dreg:$0x1c]  }
0x51: {  	[tilespmem:s21], [sflag:$0x1] =	stream.indirect_vreg.gather [hbm4b:s23+s3], $0x80, v2, vm0, $0xb8;
	[tilespmem:$0x10080] =	vst v63  }
0x52: {  	s24 =	simm.s32 $0x4080;
	s30 =	rddreg [dreg:$0x1e]  }
0x53: {  	[tilespmem:s24], [sflag:$0x1] =	stream.indirect_vreg.gather [hbm4b:s26+s3], $0x80, v2, vm0, $0xb8;
	[tilespmem:$0x10080] =	vst v63  }
0x54: {  	s28 =	simm.s32 $0x4880;
	s21 =	rddreg [dreg:$0x1d]  }
0x55: {  	[tilespmem:s28], [sflag:$0x1] =	stream.indirect_vreg.gather [hbm4b:s21+s3], $0x80, v2, vm0, $0xb8;
	[tilespmem:$0x10080] =	vst v63  }
0x56: {  	s31 =	simm.s32 $0x5080;
	s2 =	rddreg [dreg:$0x1f]  }
0x57: {  	[tilespmem:s31], [sflag:$0x1] =	stream.indirect_vreg.gather [hbm4b:s30+s3], $0x80, v2, vm0, $0xb8;
	[tilespmem:$0x10080] =	vst v63  }
0x58: {  	s4 =	simm.s32 $0x5880;
	s13 =	sld [smem:$0x7EA]  }
0x59: {  	[tilespmem:s4], [sflag:$0x1] =	stream.indirect_vreg.gather [hbm4b:s2+s3], $0x80, v2, vm0, $0xb8;
	[tilespmem:$0x10080] =	vst v63  }
0x5a: {  	s5 =	simm.s32 $0x6080;
	s28 =	sld [smem:$0x7EB]  }
0x5b: {  	[tilespmem:s5], [sflag:$0x1] =	stream.indirect_vreg.gather [hbm4b:s13+s3], $0x80, v2, vm0, $0xb8;
	[tilespmem:$0x10080] =	vst v63  }
0x5c: {  	s6 =	simm.s32 $0x6880;
	s18 =	sld [smem:$0x7EC]  }
0x5d: {  	[tilespmem:s6], [sflag:$0x1] =	stream.indirect_vreg.gather [hbm4b:s28+s3], $0x80, v2, vm0, $0xb8;
	[tilespmem:$0x10080] =	vst v63  }
0x5e: {  	s8 =	simm.s32 $0x7080;
	s9 =	sld [smem:$0x7ED]  }
0x5f: {  	[tilespmem:s8], [sflag:$0x1] =	stream.indirect_vreg.gather [hbm4b:s18+s3], $0x80, v2, vm0, $0xb8;
	[tilespmem:$0x10080] =	vst v63  }
0x60: {  	s10 =	simm.s32 $0x7880;
	s12 =	sld [smem:$0x7EE]  }
0x61: {  	[tilespmem:s10], [sflag:$0x1] =	stream.indirect_vreg.gather [hbm4b:s9+s3], $0x80, v2, vm0, $0xb8;
	[tilespmem:$0x10080] =	vst v63  }
0x62: {  	s14 =	simm.s32 $0x8080  }
0x63: {  	[tilespmem:s14], [sflag:$0x1] =	stream.indirect_vreg.gather [hbm4b:s12+s3], $0x80, v2, vm0, $0xb8;
	[tilespmem:$0x10080] =	vst v63  }
0x64: {  	s14 =	sld [smem:$0x7EF];
	_ =	sdelay $0x1  }
0x65: {  	s15 =	simm.s32 $0x8880;
	s31 =	sld [smem:$0x7F0]  }
0x66: {  	[tilespmem:s15], [sflag:$0x1] =	stream.indirect_vreg.gather [hbm4b:s14+s3], $0x80, v2, vm0, $0xb8;
	[tilespmem:$0x10080] =	vst v63  }
0x67: {  	s16 =	simm.s32 $0x9080;
	s20 =	sld [smem:$0x7F1]  }
0x68: {  	[tilespmem:s16], [sflag:$0x1] =	stream.indirect_vreg.gather [hbm4b:s31+s3], $0x80, v2, vm0, $0xb8;
	[tilespmem:$0x10080] =	vst v63  }
0x69: {  	s17 =	simm.s32 $0x9880;
	s5 =	sld [smem:$0x7F2]  }
0x6a: {  	[tilespmem:s17], [sflag:$0x1] =	stream.indirect_vreg.gather [hbm4b:s20+s3], $0x80, v2, vm0, $0xb8;
	[tilespmem:$0x10080] =	vst v63  }
0x6b: {  	s0 =	sld [smem:$0x7F3];
	s19 =	simm.s32 $0xA080  }
0x6c: {  	[tilespmem:s19], [sflag:$0x1] =	stream.indirect_vreg.gather [hbm4b:s5+s3], $0x80, v2, vm0, $0xb8;
	[tilespmem:$0x10080] =	vst v63  }
0x6d: {  	s24 =	smov.u32 s30;
	s30 =	simm.s32 $0xA880;
	s10 =	sld [smem:$0x7F4]  }
0x6e: {  	[tilespmem:s30], [sflag:$0x1] =	stream.indirect_vreg.gather [hbm4b:s0+s3], $0x80, v2, vm0, $0xb8;
	[tilespmem:$0x10080] =	vst v63  }
0x6f: {  	s2 =	simm.s32 $0xB080  }
0x70: {  	[tilespmem:s2], [sflag:$0x1] =	stream.indirect_vreg.gather [hbm4b:s10+s3], $0x80, v2, vm0, $0xb8;
	[tilespmem:$0x10080] =	vst v63  }
0x71: {  	s2 =	sld [smem:$0x7F5];
	_ =	sdelay $0x1  }
0x72: {  	s4 =	simm.s32 $0xB880;
	s17 =	sld [smem:$0x7F6]  }
0x73: {  	[tilespmem:s4], [sflag:$0x1] =	stream.indirect_vreg.gather [hbm4b:s2+s3], $0x80, v2, vm0, $0xb8;
	[tilespmem:$0x10080] =	vst v63  }
0x74: {  	s6 =	simm.s32 $0xC080;
	s12 =	sld [smem:$0x7F7]  }
0x75: {  	[tilespmem:s6], [sflag:$0x1] =	stream.indirect_vreg.gather [hbm4b:s17+s3], $0x80, v2, vm0, $0xb8;
	[tilespmem:$0x10080] =	vst v63  }
0x76: {  	s15 =	sld [smem:$0x7F8];
	s4 =	simm.s32 $0xC880  }
0x77: {  	[tilespmem:s4], [sflag:$0x1] =	stream.indirect_vreg.gather [hbm4b:s12+s3], $0x80, v2, vm0, $0xb8;
	[tilespmem:$0x10080] =	vst v63  }
0x78: {  	s16 =	sld [smem:$0x7F9];
	s6 =	simm.s32 $0xD080  }
0x79: {  	[tilespmem:s6], [sflag:$0x1] =	stream.indirect_vreg.gather [hbm4b:s15+s3], $0x80, v2, vm0, $0xb8;
	[tilespmem:$0x10080] =	vst v63  }
0x7a: {  	s8 =	simm.s32 $0xD880;
	s19 =	sld [smem:$0x7FA]  }
0x7b: {  	[tilespmem:s8], [sflag:$0x1] =	stream.indirect_vreg.gather [hbm4b:s16+s3], $0x80, v2, vm0, $0xb8;
	[tilespmem:$0x10080] =	vst v63  }
0x7c: {  	s9 =	simm.s32 $0xE080;
	s4 =	sld [smem:$0x7FB]  }
0x7d: {  	[tilespmem:s9], [sflag:$0x1] =	stream.indirect_vreg.gather [hbm4b:s19+s3], $0x80, v2, vm0, $0xb8;
	[tilespmem:$0x10080] =	vst v63  }
0x7e: {  	s30 =	simm.s32 $0xE880;
	s8 =	sld [smem:$0x7FC]  }
0x7f: {  	[tilespmem:s30], [sflag:$0x1] =	stream.indirect_vreg.gather [hbm4b:s4+s3], $0x80, v2, vm0, $0xb8;
	[tilespmem:$0x10080] =	vst v63  }
0x80: {  	s2 =	simm.s32 $0xF080;
	s30 =	sld [smem:$0x7FD]  }
0x81: {  	[tilespmem:s2], [sflag:$0x1] =	stream.indirect_vreg.gather [hbm4b:s8+s3], $0x80, v2, vm0, $0xb8;
	[tilespmem:$0x10080] =	vst v63  }
0x82: {  	s6 =	simm.s32 $0xF880;
	s9 =	simm.s32 $0x1  }
0x83: {  	[tilespmem:s6], [sflag:$0x1] =	stream.indirect_vreg.gather [hbm4b:s30+s3], $0x80, v2, vm0, $0xb8;
	[tilespmem:$0x10080] =	vst v63  }
0x84: {  	_ =	swait.ge [sflag:s9], $0x10000  }
0x85: {  	s2 =	simm.s32 $0x2;
	[sflag:s9] =	ssyncset.done $0x0  }
0x86: {  	s6 =	simm.s32 $0x80;
	s1 =	rddreg [dreg:$0x17];
	[sflag:s9] =	ssyncadd.s32 $0xFFFF0000  }
0x87: {  	[hbm4b:s1+s3] =	stream.linear.scatter [tilespmem:s6], [sflag:$0x2], $0x10000, $0x38;
	[tilespmem:$0x10080] =	vst v63  }
0x88: {  	_ =	swait.ge [sflag:s2], $0x10000  }
0x89: {  	[sflag:s2] =	ssyncset.done $0x0  }
0x8a: {  	[sflag:s2] =	ssyncadd.s32 $0xFFFF0000  }
0x8b: {  	v2 =	vld.msk [tilespmem:$0x8], $0xff;
	_ =	sdelay $0x4  }
0x8c: {  	v3 =	vshll.u32 v2, $0x6  }
0x8d: {  	v2 =	vand.u32 $0x7, v2;
	v3 =	vand.u32 $0xFFFFFE00, v3  }
0x8e: {  	v2 =	vor.u32 v2, v3  }
0x8f: {  	v2 =	vperm.xlane v2, v0;
	_ =	sdelay $0x1  }
0x90: {  	v2 =	vadd.s32 v1, v2;
	_ =	sdelay $0x4  }
0x91: {  	[tilespmem:s6], [sflag:$0x1] =	stream.indirect_vreg.gather [hbm4b:s29+s3], $0x80, v2, vm0, $0xb8;
	[tilespmem:$0x10080] =	vst v63  }
0x92: {  	s1 =	smov.u32 s29;
	s29 =	simm.s32 $0x880  }
0x93: {  	[tilespmem:s29], [sflag:$0x1] =	stream.indirect_vreg.gather [hbm4b:s7+s3], $0x80, v2, vm0, $0xb8;
	[tilespmem:$0x10080] =	vst v63  }
0x94: {  	s9 =	simm.s32 $0x1080;
	s2 =	rddreg [dreg:$0x15]  }
0x95: {  	[tilespmem:s9], [sflag:$0x1] =	stream.indirect_vreg.gather [hbm4b:s2+s3], $0x80, v2, vm0, $0xb8;
	[tilespmem:$0x10080] =	vst v63  }
0x96: {  	s9 =	simm.s32 $0x1880;
	s2 =	rddreg [dreg:$0x16]  }
0x97: {  	[tilespmem:s9], [sflag:$0x1] =	stream.indirect_vreg.gather [hbm4b:s2+s3], $0x80, v2, vm0, $0xb8;
	[tilespmem:$0x10080] =	vst v63  }
0x98: {  	s9 =	simm.s32 $0x2080  }
0x99: {  	[tilespmem:s9], [sflag:$0x1] =	stream.indirect_vreg.gather [hbm4b:s25+s3], $0x80, v2, vm0, $0xb8;
	[tilespmem:$0x10080] =	vst v63  }
0x9a: {  	s9 =	simm.s32 $0x2880  }
0x9b: {  	[tilespmem:s9], [sflag:$0x1] =	stream.indirect_vreg.gather [hbm4b:s11+s3], $0x80, v2, vm0, $0xb8;
	[tilespmem:$0x10080] =	vst v63  }
0x9c: {  	s25 =	simm.s32 $0x3080  }
0x9d: {  	[tilespmem:s25], [sflag:$0x1] =	stream.indirect_vreg.gather [hbm4b:s22+s3], $0x80, v2, vm0, $0xb8;
	[tilespmem:$0x10080] =	vst v63  }
0x9e: {  	s22 =	simm.s32 $0x3880  }
0x9f: {  	[tilespmem:s22], [sflag:$0x1] =	stream.indirect_vreg.gather [hbm4b:s23+s3], $0x80, v2, vm0, $0xb8;
	[tilespmem:$0x10080] =	vst v63  }
0xa0: {  	s25 =	smov.u32 s23;
	s23 =	simm.s32 $0x4080  }
0xa1: {  	[tilespmem:s23], [sflag:$0x1] =	stream.indirect_vreg.gather [hbm4b:s26+s3], $0x80, v2, vm0, $0xb8;
	[tilespmem:$0x10080] =	vst v63  }
0xa2: {  	s26 =	simm.s32 $0x4880  }
0xa3: {  	[tilespmem:s26], [sflag:$0x1] =	stream.indirect_vreg.gather [hbm4b:s21+s3], $0x80, v2, vm0, $0xb8;
	[tilespmem:$0x10080] =	vst v63  }
0xa4: {  	s21 =	simm.s32 $0x5080  }
0xa5: {  	[tilespmem:s21], [sflag:$0x1] =	stream.indirect_vreg.gather [hbm4b:s24+s3], $0x80, v2, vm0, $0xb8;
	[tilespmem:$0x10080] =	vst v63  }
0xa6: {  	s9 =	rddreg [dreg:$0x1f];
	s24 =	simm.s32 $0x5880  }
0xa7: {  	[tilespmem:s24], [sflag:$0x1] =	stream.indirect_vreg.gather [hbm4b:s9+s3], $0x80, v2, vm0, $0xb8;
	[tilespmem:$0x10080] =	vst v63  }
0xa8: {  	s9 =	simm.s32 $0x6080  }
0xa9: {  	[tilespmem:s9], [sflag:$0x1] =	stream.indirect_vreg.gather [hbm4b:s13+s3], $0x80, v2, vm0, $0xb8;
	[tilespmem:$0x10080] =	vst v63  }
0xaa: {  	s13 =	simm.s32 $0x6880  }
0xab: {  	[tilespmem:s13], [sflag:$0x1] =	stream.indirect_vreg.gather [hbm4b:s28+s3], $0x80, v2, vm0, $0xb8;
	[tilespmem:$0x10080] =	vst v63  }
0xac: {  	s28 =	simm.s32 $0x7080  }
0xad: {  	[tilespmem:s28], [sflag:$0x1] =	stream.indirect_vreg.gather [hbm4b:s18+s3], $0x80, v2, vm0, $0xb8;
	[tilespmem:$0x10080] =	vst v63  }
0xae: {  	s18 =	sld [smem:$0x7ED];
	_ =	sdelay $0x1  }
0xaf: {  	s2 =	simm.s32 $0x7880  }
0xb0: {  	[tilespmem:s2], [sflag:$0x1] =	stream.indirect_vreg.gather [hbm4b:s18+s3], $0x80, v2, vm0, $0xb8;
	[tilespmem:$0x10080] =	vst v63  }
0xb1: {  	s2 =	sld [smem:$0x7EE];
	_ =	sdelay $0x1  }
0xb2: {  	s18 =	simm.s32 $0x8080  }
0xb3: {  	[tilespmem:s18], [sflag:$0x1] =	stream.indirect_vreg.gather [hbm4b:s2+s3], $0x80, v2, vm0, $0xb8;
	[tilespmem:$0x10080] =	vst v63  }
0xb4: {  	s18 =	simm.s32 $0x8880  }
0xb5: {  	[tilespmem:s18], [sflag:$0x1] =	stream.indirect_vreg.gather [hbm4b:s14+s3], $0x80, v2, vm0, $0xb8;
	[tilespmem:$0x10080] =	vst v63  }
0xb6: {  	s18 =	smov.u32 s14;
	s14 =	simm.s32 $0x9080  }
0xb7: {  	[tilespmem:s14], [sflag:$0x1] =	stream.indirect_vreg.gather [hbm4b:s31+s3], $0x80, v2, vm0, $0xb8;
	[tilespmem:$0x10080] =	vst v63  }
0xb8: {  	s31 =	simm.s32 $0x9880  }
0xb9: {  	[tilespmem:s31], [sflag:$0x1] =	stream.indirect_vreg.gather [hbm4b:s20+s3], $0x80, v2, vm0, $0xb8;
	[tilespmem:$0x10080] =	vst v63  }
0xba: {  	s14 =	simm.s32 $0xA080  }
0xbb: {  	[tilespmem:s14], [sflag:$0x1] =	stream.indirect_vreg.gather [hbm4b:s5+s3], $0x80, v2, vm0, $0xb8;
	[tilespmem:$0x10080] =	vst v63  }
0xbc: {  	s20 =	simm.s32 $0xA880  }
0xbd: {  	[tilespmem:s20], [sflag:$0x1] =	stream.indirect_vreg.gather [hbm4b:s0+s3], $0x80, v2, vm0, $0xb8;
	[tilespmem:$0x10080] =	vst v63  }
0xbe: {  	s14 =	sld [smem:$0x7F5];
	s20 =	simm.s32 $0xB080  }
0xbf: {  	[tilespmem:s20], [sflag:$0x1] =	stream.indirect_vreg.gather [hbm4b:s10+s3], $0x80, v2, vm0, $0xb8;
	[tilespmem:$0x10080] =	vst v63  }
0xc0: {  	s9 =	simm.s32 $0xB880  }
0xc1: {  	[tilespmem:s9], [sflag:$0x1] =	stream.indirect_vreg.gather [hbm4b:s14+s3], $0x80, v2, vm0, $0xb8;
	[tilespmem:$0x10080] =	vst v63  }
0xc2: {  	s14 =	simm.s32 $0xC080  }
0xc3: {  	[tilespmem:s14], [sflag:$0x1] =	stream.indirect_vreg.gather [hbm4b:s17+s3], $0x80, v2, vm0, $0xb8;
	[tilespmem:$0x10080] =	vst v63  }
0xc4: {  	s9 =	simm.s32 $0xC880  }
0xc5: {  	[tilespmem:s9], [sflag:$0x1] =	stream.indirect_vreg.gather [hbm4b:s12+s3], $0x80, v2, vm0, $0xb8;
	[tilespmem:$0x10080] =	vst v63  }
0xc6: {  	s14 =	simm.s32 $0xD080  }
0xc7: {  	[tilespmem:s14], [sflag:$0x1] =	stream.indirect_vreg.gather [hbm4b:s15+s3], $0x80, v2, vm0, $0xb8;
	[tilespmem:$0x10080] =	vst v63  }
0xc8: {  	s17 =	simm.s32 $0xD880  }
0xc9: {  	[tilespmem:s17], [sflag:$0x1] =	stream.indirect_vreg.gather [hbm4b:s16+s3], $0x80, v2, vm0, $0xb8;
	[tilespmem:$0x10080] =	vst v63  }
0xca: {  	s9 =	simm.s32 $0xE080  }
0xcb: {  	[tilespmem:s9], [sflag:$0x1] =	stream.indirect_vreg.gather [hbm4b:s19+s3], $0x80, v2, vm0, $0xb8;
	[tilespmem:$0x10080] =	vst v63  }
0xcc: {  	s14 =	simm.s32 $0xE880  }
0xcd: {  	[tilespmem:s14], [sflag:$0x1] =	stream.indirect_vreg.gather [hbm4b:s4+s3], $0x80, v2, vm0, $0xb8;
	[tilespmem:$0x10080] =	vst v63  }
0xce: {  	s17 =	simm.s32 $0xF080  }
0xcf: {  	[tilespmem:s17], [sflag:$0x1] =	stream.indirect_vreg.gather [hbm4b:s8+s3], $0x80, v2, vm0, $0xb8;
	[tilespmem:$0x10080] =	vst v63  }
0xd0: {  	s9 =	simm.s32 $0xF880;
	s14 =	simm.s32 $0x1  }
0xd1: {  	[tilespmem:s9], [sflag:$0x1] =	stream.indirect_vreg.gather [hbm4b:s30+s3], $0x80, v2, vm0, $0xb8;
	[tilespmem:$0x10080] =	vst v63  }
0xd2: {  	_ =	swait.ge [sflag:s14], $0x10000  }
0xd3: {  	s6 =	simm.s32 $0x80;
	[sflag:s14] =	ssyncset.done $0x0  }
0xd4: {  	s5 =	simm.s32 $0x2;
	s17 =	rddreg [dreg:$0x5];
	[sflag:s14] =	ssyncadd.s32 $0xFFFF0000  }
0xd5: {  	[hbm4b:s17+s3] =	stream.linear.scatter [tilespmem:s6], [sflag:$0x2], $0x10000, $0x38;
	[tilespmem:$0x10080] =	vst v63  }
0xd6: {  	_ =	swait.ge [sflag:s5], $0x10000  }
0xd7: {  	[sflag:s5] =	ssyncset.done $0x0  }
0xd8: {  	[sflag:s5] =	ssyncadd.s32 $0xFFFF0000  }
0xd9: {  	v2 =	vld.msk [tilespmem:$0x10], $0xff;
	_ =	sdelay $0x4  }
0xda: {  	v3 =	vshll.u32 v2, $0x6  }
0xdb: {  	v2 =	vand.u32 $0x7, v2;
	v3 =	vand.u32 $0xFFFFFE00, v3  }
0xdc: {  	v2 =	vor.u32 v2, v3  }
0xdd: {  	v2 =	vperm.xlane v2, v0;
	_ =	sdelay $0x1  }
0xde: {  	v2 =	vadd.s32 v1, v2;
	_ =	sdelay $0x4  }
0xdf: {  	[tilespmem:s6], [sflag:$0x1] =	stream.indirect_vreg.gather [hbm4b:s1+s3], $0x80, v2, vm0, $0xb8;
	[tilespmem:$0x10080] =	vst v63  }
0xe0: {  	_ = 	snop  }
0xe1: {  	[tilespmem:s29], [sflag:$0x1] =	stream.indirect_vreg.gather [hbm4b:s7+s3], $0x80, v2, vm0, $0xb8;
	[tilespmem:$0x10080] =	vst v63  }
0xe2: {  	s1 =	rddreg [dreg:$0x15];
	s6 =	simm.s32 $0x1080  }
0xe3: {  	[tilespmem:s6], [sflag:$0x1] =	stream.indirect_vreg.gather [hbm4b:s1+s3], $0x80, v2, vm0, $0xb8;
	[tilespmem:$0x10080] =	vst v63  }
0xe4: {  	s7 =	simm.s32 $0x1880;
	s6 =	rddreg [dreg:$0x16]  }
0xe5: {  	[tilespmem:s7], [sflag:$0x1] =	stream.indirect_vreg.gather [hbm4b:s6+s3], $0x80, v2, vm0, $0xb8;
	[tilespmem:$0x10080] =	vst v63  }
0xe6: {  	s9 =	simm.s32 $0x2080;
	s7 =	rddreg [dreg:$0x18]  }
0xe7: {  	[tilespmem:s9], [sflag:$0x1] =	stream.indirect_vreg.gather [hbm4b:s7+s3], $0x80, v2, vm0, $0xb8;
	[tilespmem:$0x10080] =	vst v63  }
0xe8: {  	s14 =	simm.s32 $0x2880  }
0xe9: {  	[tilespmem:s14], [sflag:$0x1] =	stream.indirect_vreg.gather [hbm4b:s11+s3], $0x80, v2, vm0, $0xb8;
	[tilespmem:$0x10080] =	vst v63  }
0xea: {  	s17 =	simm.s32 $0x3080;
	s29 =	rddreg [dreg:$0x1a]  }
0xeb: {  	[tilespmem:s17], [sflag:$0x1] =	stream.indirect_vreg.gather [hbm4b:s29+s3], $0x80, v2, vm0, $0xb8;
	[tilespmem:$0x10080] =	vst v63  }
0xec: {  	_ = 	snop  }
0xed: {  	[tilespmem:s22], [sflag:$0x1] =	stream.indirect_vreg.gather [hbm4b:s25+s3], $0x80, v2, vm0, $0xb8;
	[tilespmem:$0x10080] =	vst v63  }
0xee: {  	s25 =	rddreg [dreg:$0x1c]  }
0xef: {  	[tilespmem:s23], [sflag:$0x1] =	stream.indirect_vreg.gather [hbm4b:s25+s3], $0x80, v2, vm0, $0xb8;
	[tilespmem:$0x10080] =	vst v63  }
0xf0: {  	s25 =	rddreg [dreg:$0x1d]  }
0xf1: {  	[tilespmem:s26], [sflag:$0x1] =	stream.indirect_vreg.gather [hbm4b:s25+s3], $0x80, v2, vm0, $0xb8;
	[tilespmem:$0x10080] =	vst v63  }
0xf2: {  	s17 =	rddreg [dreg:$0x1e]  }
0xf3: {  	[tilespmem:s21], [sflag:$0x1] =	stream.indirect_vreg.gather [hbm4b:s17+s3], $0x80, v2, vm0, $0xb8;
	[tilespmem:$0x10080] =	vst v63  }
0xf4: {  	s14 =	rddreg [dreg:$0x1f]  }
0xf5: {  	[tilespmem:s24], [sflag:$0x1] =	stream.indirect_vreg.gather [hbm4b:s14+s3], $0x80, v2, vm0, $0xb8;
	[tilespmem:$0x10080] =	vst v63  }
0xf6: {  	s24 =	sld [smem:$0x7EA];
	_ =	sdelay $0x1  }
0xf7: {  	s9 =	sld [smem:$0x7EB];
	s26 =	simm.s32 $0x6080  }
0xf8: {  	[tilespmem:s26], [sflag:$0x1] =	stream.indirect_vreg.gather [hbm4b:s24+s3], $0x80, v2, vm0, $0xb8;
	[tilespmem:$0x10080] =	vst v63  }
0xf9: {  	s21 =	sld [smem:$0x7EC]  }
0xfa: {  	[tilespmem:s13], [sflag:$0x1] =	stream.indirect_vreg.gather [hbm4b:s9+s3], $0x80, v2, vm0, $0xb8;
	[tilespmem:$0x10080] =	vst v63  }
0xfb: {  	_ = 	snop  }
0xfc: {  	[tilespmem:s28], [sflag:$0x1] =	stream.indirect_vreg.gather [hbm4b:s21+s3], $0x80, v2, vm0, $0xb8;
	[tilespmem:$0x10080] =	vst v63  }
0xfd: {  	s21 =	sld [smem:$0x7ED];
	_ =	sdelay $0x1  }
0xfe: {  	s22 =	simm.s32 $0x7880  }
0xff: {  	[tilespmem:s22], [sflag:$0x1] =	stream.indirect_vreg.gather [hbm4b:s21+s3], $0x80, v2, vm0, $0xb8;
	[tilespmem:$0x10080] =	vst v63  }
0x100: {  	s23 =	simm.s32 $0x8080  }
0x101: {  	[tilespmem:s23], [sflag:$0x1] =	stream.indirect_vreg.gather [hbm4b:s2+s3], $0x80, v2, vm0, $0xb8;
	[tilespmem:$0x10080] =	vst v63  }
0x102: {  	s26 =	simm.s32 $0x8880;
	s13 =	sld [smem:$0x7F0]  }
0x103: {  	[tilespmem:s26], [sflag:$0x1] =	stream.indirect_vreg.gather [hbm4b:s18+s3], $0x80, v2, vm0, $0xb8;
	[tilespmem:$0x10080] =	vst v63  }
0x104: {  	s28 =	simm.s32 $0x9080;
	s23 =	sld [smem:$0x7F1]  }
0x105: {  	[tilespmem:s28], [sflag:$0x1] =	stream.indirect_vreg.gather [hbm4b:s13+s3], $0x80, v2, vm0, $0xb8;
	[tilespmem:$0x10080] =	vst v63  }
0x106: {  	s26 =	sld [smem:$0x7F2]  }
0x107: {  	[tilespmem:s31], [sflag:$0x1] =	stream.indirect_vreg.gather [hbm4b:s23+s3], $0x80, v2, vm0, $0xb8;
	[tilespmem:$0x10080] =	vst v63  }
0x108: {  	s5 =	simm.s32 $0xA080  }
0x109: {  	[tilespmem:s5], [sflag:$0x1] =	stream.indirect_vreg.gather [hbm4b:s26+s3], $0x80, v2, vm0, $0xb8;
	[tilespmem:$0x10080] =	vst v63  }
0x10a: {  	s9 =	simm.s32 $0xA880  }
0x10b: {  	[tilespmem:s9], [sflag:$0x1] =	stream.indirect_vreg.gather [hbm4b:s0+s3], $0x80, v2, vm0, $0xb8;
	[tilespmem:$0x10080] =	vst v63  }
0x10c: {  	s22 =	sld [smem:$0x7F5]  }
0x10d: {  	[tilespmem:s20], [sflag:$0x1] =	stream.indirect_vreg.gather [hbm4b:s10+s3], $0x80, v2, vm0, $0xb8;
	[tilespmem:$0x10080] =	vst v63  }
0x10e: {  	s28 =	sld [smem:$0x7F6];
	s20 =	smov.u32 s10;
	s10 =	simm.s32 $0xB880  }
0x10f: {  	[tilespmem:s10], [sflag:$0x1] =	stream.indirect_vreg.gather [hbm4b:s22+s3], $0x80, v2, vm0, $0xb8;
	[tilespmem:$0x10080] =	vst v63  }
0x110: {  	s31 =	simm.s32 $0xC080  }
0x111: {  	[tilespmem:s31], [sflag:$0x1] =	stream.indirect_vreg.gather [hbm4b:s28+s3], $0x80, v2, vm0, $0xb8;
	[tilespmem:$0x10080] =	vst v63  }
0x112: {  	s5 =	simm.s32 $0xC880  }
0x113: {  	[tilespmem:s5], [sflag:$0x1] =	stream.indirect_vreg.gather [hbm4b:s12+s3], $0x80, v2, vm0, $0xb8;
	[tilespmem:$0x10080] =	vst v63  }
0x114: {  	s9 =	simm.s32 $0xD080  }
0x115: {  	[tilespmem:s9], [sflag:$0x1] =	stream.indirect_vreg.gather [hbm4b:s15+s3], $0x80, v2, vm0, $0xb8;
	[tilespmem:$0x10080] =	vst v63  }
0x116: {  	s10 =	simm.s32 $0xD880  }
0x117: {  	[tilespmem:s10], [sflag:$0x1] =	stream.indirect_vreg.gather [hbm4b:s16+s3], $0x80, v2, vm0, $0xb8;
	[tilespmem:$0x10080] =	vst v63  }
0x118: {  	s28 =	simm.s32 $0xE080  }
0x119: {  	[tilespmem:s28], [sflag:$0x1] =	stream.indirect_vreg.gather [hbm4b:s19+s3], $0x80, v2, vm0, $0xb8;
	[tilespmem:$0x10080] =	vst v63  }
0x11a: {  	s31 =	simm.s32 $0xE880  }
0x11b: {  	[tilespmem:s31], [sflag:$0x1] =	stream.indirect_vreg.gather [hbm4b:s4+s3], $0x80, v2, vm0, $0xb8;
	[tilespmem:$0x10080] =	vst v63  }
0x11c: {  	s9 =	simm.s32 $0xF080  }
0x11d: {  	[tilespmem:s9], [sflag:$0x1] =	stream.indirect_vreg.gather [hbm4b:s8+s3], $0x80, v2, vm0, $0xb8;
	[tilespmem:$0x10080] =	vst v63  }
0x11e: {  	s2 =	smov.u32 s19;
	s10 =	simm.s32 $0xF880;
	s19 =	simm.s32 $0x1  }
0x11f: {  	[tilespmem:s10], [sflag:$0x1] =	stream.indirect_vreg.gather [hbm4b:s30+s3], $0x80, v2, vm0, $0xb8;
	[tilespmem:$0x10080] =	vst v63  }
0x120: {  	_ =	swait.ge [sflag:s19], $0x10000  }
0x121: {  	s5 =	simm.s32 $0x2;
	[sflag:s19] =	ssyncset.done $0x0  }
0x122: {  	s31 =	simm.s32 $0x80;
	s28 =	rddreg [dreg:$0x6];
	[sflag:s19] =	ssyncadd.s32 $0xFFFF0000  }
0x123: {  	[hbm4b:s28+s3] =	stream.linear.scatter [tilespmem:s31], [sflag:$0x2], $0x10000, $0x38;
	[tilespmem:$0x10080] =	vst v63  }
0x124: {  	_ =	swait.ge [sflag:s5], $0x10000  }
0x125: {  	[sflag:s5] =	ssyncset.done $0x0  }
0x126: {  	[sflag:s5] =	ssyncadd.s32 $0xFFFF0000  }
0x127: {  	v2 =	vld.msk [tilespmem:$0x18], $0xff;
	_ =	sdelay $0x4  }
0x128: {  	v3 =	vshll.u32 v2, $0x6  }
0x129: {  	v2 =	vand.u32 $0x7, v2;
	v3 =	vand.u32 $0xFFFFFE00, v3  }
0x12a: {  	v2 =	vor.u32 v2, v3  }
0x12b: {  	v2 =	vperm.xlane v2, v0;
	_ =	sdelay $0x1  }
0x12c: {  	v2 =	vadd.s32 v1, v2;
	_ =	sdelay $0x3  }
0x12d: {  	s9 =	rddreg [dreg:$0x1]  }
0x12e: {  	[tilespmem:s31], [sflag:$0x1] =	stream.indirect_vreg.gather [hbm4b:s9+s3], $0x80, v2, vm0, $0xb8;
	[tilespmem:$0x10080] =	vst v63  }
0x12f: {  	s19 =	simm.s32 $0x880;
	s5 =	rddreg [dreg:$0x14]  }
0x130: {  	[tilespmem:s19], [sflag:$0x1] =	stream.indirect_vreg.gather [hbm4b:s5+s3], $0x80, v2, vm0, $0xb8;
	[tilespmem:$0x10080] =	vst v63  }
0x131: {  	s10 =	smov.u32 s1;
	s28 =	simm.s32 $0x1080  }
0x132: {  	[tilespmem:s28], [sflag:$0x1] =	stream.indirect_vreg.gather [hbm4b:s10+s3], $0x80, v2, vm0, $0xb8;
	[tilespmem:$0x10080] =	vst v63  }
0x133: {  	s31 =	simm.s32 $0x1880  }
0x134: {  	[tilespmem:s31], [sflag:$0x1] =	stream.indirect_vreg.gather [hbm4b:s6+s3], $0x80, v2, vm0, $0xb8;
	[tilespmem:$0x10080] =	vst v63  }
0x135: {  	s9 =	simm.s32 $0x2080  }
0x136: {  	[tilespmem:s9], [sflag:$0x1] =	stream.indirect_vreg.gather [hbm4b:s7+s3], $0x80, v2, vm0, $0xb8;
	[tilespmem:$0x10080] =	vst v63  }
0x137: {  	s19 =	simm.s32 $0x2880  }
0x138: {  	[tilespmem:s19], [sflag:$0x1] =	stream.indirect_vreg.gather [hbm4b:s11+s3], $0x80, v2, vm0, $0xb8;
	[tilespmem:$0x10080] =	vst v63  }
0x139: {  	s28 =	simm.s32 $0x3080  }
0x13a: {  	[tilespmem:s28], [sflag:$0x1] =	stream.indirect_vreg.gather [hbm4b:s29+s3], $0x80, v2, vm0, $0xb8;
	[tilespmem:$0x10080] =	vst v63  }
0x13b: {  	s19 =	rddreg [dreg:$0x1b];
	s29 =	simm.s32 $0x3880  }
0x13c: {  	[tilespmem:s29], [sflag:$0x1] =	stream.indirect_vreg.gather [hbm4b:s19+s3], $0x80, v2, vm0, $0xb8;
	[tilespmem:$0x10080] =	vst v63  }
0x13d: {  	s31 =	simm.s32 $0x4080;
	s29 =	rddreg [dreg:$0x1c]  }
0x13e: {  	[tilespmem:s31], [sflag:$0x1] =	stream.indirect_vreg.gather [hbm4b:s29+s3], $0x80, v2, vm0, $0xb8;
	[tilespmem:$0x10080] =	vst v63  }
0x13f: {  	s6 =	simm.s32 $0x4880  }
0x140: {  	[tilespmem:s6], [sflag:$0x1] =	stream.indirect_vreg.gather [hbm4b:s25+s3], $0x80, v2, vm0, $0xb8;
	[tilespmem:$0x10080] =	vst v63  }
0x141: {  	s7 =	simm.s32 $0x5080  }
0x142: {  	[tilespmem:s7], [sflag:$0x1] =	stream.indirect_vreg.gather [hbm4b:s17+s3], $0x80, v2, vm0, $0xb8;
	[tilespmem:$0x10080] =	vst v63  }
0x143: {  	s9 =	simm.s32 $0x5880  }
0x144: {  	[tilespmem:s9], [sflag:$0x1] =	stream.indirect_vreg.gather [hbm4b:s14+s3], $0x80, v2, vm0, $0xb8;
	[tilespmem:$0x10080] =	vst v63  }
0x145: {  	s28 =	sld [smem:$0x7EB];
	s6 =	smov.u32 s17;
	s17 =	simm.s32 $0x6080  }
0x146: {  	[tilespmem:s17], [sflag:$0x1] =	stream.indirect_vreg.gather [hbm4b:s24+s3], $0x80, v2, vm0, $0xb8;
	[tilespmem:$0x10080] =	vst v63  }
0x147: {  	s1 =	sld [smem:$0x7EC];
	s11 =	smov.u32 s25;
	s25 =	simm.s32 $0x6880  }
0x148: {  	[tilespmem:s25], [sflag:$0x1] =	stream.indirect_vreg.gather [hbm4b:s28+s3], $0x80, v2, vm0, $0xb8;
	[tilespmem:$0x10080] =	vst v63  }
0x149: {  	s31 =	simm.s32 $0x7080  }
0x14a: {  	[tilespmem:s31], [sflag:$0x1] =	stream.indirect_vreg.gather [hbm4b:s1+s3], $0x80, v2, vm0, $0xb8;
	[tilespmem:$0x10080] =	vst v63  }
0x14b: {  	s9 =	simm.s32 $0x7880;
	s31 =	sld [smem:$0x7EE]  }
0x14c: {  	[tilespmem:s9], [sflag:$0x1] =	stream.indirect_vreg.gather [hbm4b:s21+s3], $0x80, v2, vm0, $0xb8;
	[tilespmem:$0x10080] =	vst v63  }
0x14d: {  	s14 =	simm.s32 $0x8080  }
0x14e: {  	[tilespmem:s14], [sflag:$0x1] =	stream.indirect_vreg.gather [hbm4b:s31+s3], $0x80, v2, vm0, $0xb8;
	[tilespmem:$0x10080] =	vst v63  }
0x14f: {  	s17 =	simm.s32 $0x8880  }
0x150: {  	[tilespmem:s17], [sflag:$0x1] =	stream.indirect_vreg.gather [hbm4b:s18+s3], $0x80, v2, vm0, $0xb8;
	[tilespmem:$0x10080] =	vst v63  }
0x151: {  	s18 =	simm.s32 $0x9080  }
0x152: {  	[tilespmem:s18], [sflag:$0x1] =	stream.indirect_vreg.gather [hbm4b:s13+s3], $0x80, v2, vm0, $0xb8;
	[tilespmem:$0x10080] =	vst v63  }
0x153: {  	s21 =	simm.s32 $0x9880  }
0x154: {  	[tilespmem:s21], [sflag:$0x1] =	stream.indirect_vreg.gather [hbm4b:s23+s3], $0x80, v2, vm0, $0xb8;
	[tilespmem:$0x10080] =	vst v63  }
0x155: {  	s25 =	simm.s32 $0xA080  }
0x156: {  	[tilespmem:s25], [sflag:$0x1] =	stream.indirect_vreg.gather [hbm4b:s26+s3], $0x80, v2, vm0, $0xb8;
	[tilespmem:$0x10080] =	vst v63  }
0x157: {  	s26 =	simm.s32 $0xA880  }
0x158: {  	[tilespmem:s26], [sflag:$0x1] =	stream.indirect_vreg.gather [hbm4b:s0+s3], $0x80, v2, vm0, $0xb8;
	[tilespmem:$0x10080] =	vst v63  }
0x159: {  	s7 =	simm.s32 $0xB080  }
0x15a: {  	[tilespmem:s7], [sflag:$0x1] =	stream.indirect_vreg.gather [hbm4b:s20+s3], $0x80, v2, vm0, $0xb8;
	[tilespmem:$0x10080] =	vst v63  }
0x15b: {  	s24 =	smov.u32 s13;
	s9 =	simm.s32 $0xB880;
	s13 =	sld [smem:$0x7F6]  }
0x15c: {  	[tilespmem:s9], [sflag:$0x1] =	stream.indirect_vreg.gather [hbm4b:s22+s3], $0x80, v2, vm0, $0xb8;
	[tilespmem:$0x10080] =	vst v63  }
0x15d: {  	s14 =	simm.s32 $0xC080  }
0x15e: {  	[tilespmem:s14], [sflag:$0x1] =	stream.indirect_vreg.gather [hbm4b:s13+s3], $0x80, v2, vm0, $0xb8;
	[tilespmem:$0x10080] =	vst v63  }
0x15f: {  	s17 =	simm.s32 $0xC880  }
0x160: {  	[tilespmem:s17], [sflag:$0x1] =	stream.indirect_vreg.gather [hbm4b:s12+s3], $0x80, v2, vm0, $0xb8;
	[tilespmem:$0x10080] =	vst v63  }
0x161: {  	s18 =	simm.s32 $0xD080  }
0x162: {  	[tilespmem:s18], [sflag:$0x1] =	stream.indirect_vreg.gather [hbm4b:s15+s3], $0x80, v2, vm0, $0xb8;
	[tilespmem:$0x10080] =	vst v63  }
0x163: {  	s25 =	simm.s32 $0xD880  }
0x164: {  	[tilespmem:s25], [sflag:$0x1] =	stream.indirect_vreg.gather [hbm4b:s16+s3], $0x80, v2, vm0, $0xb8;
	[tilespmem:$0x10080] =	vst v63  }
0x165: {  	s26 =	simm.s32 $0xE080  }
0x166: {  	[tilespmem:s26], [sflag:$0x1] =	stream.indirect_vreg.gather [hbm4b:s2+s3], $0x80, v2, vm0, $0xb8;
	[tilespmem:$0x10080] =	vst v63  }
0x167: {  	s9 =	simm.s32 $0xE880  }
0x168: {  	[tilespmem:s9], [sflag:$0x1] =	stream.indirect_vreg.gather [hbm4b:s4+s3], $0x80, v2, vm0, $0xb8;
	[tilespmem:$0x10080] =	vst v63  }
0x169: {  	s13 =	simm.s32 $0xF080  }
0x16a: {  	[tilespmem:s13], [sflag:$0x1] =	stream.indirect_vreg.gather [hbm4b:s8+s3], $0x80, v2, vm0, $0xb8;
	[tilespmem:$0x10080] =	vst v63  }
0x16b: {  	s7 =	smov.u32 s15;
	s14 =	simm.s32 $0xF880;
	s15 =	simm.s32 $0x1  }
0x16c: {  	[tilespmem:s14], [sflag:$0x1] =	stream.indirect_vreg.gather [hbm4b:s30+s3], $0x80, v2, vm0, $0xb8;
	[tilespmem:$0x10080] =	vst v63  }
0x16d: {  	_ =	swait.ge [sflag:s15], $0x10000  }
0x16e: {  	s18 =	simm.s32 $0x80;
	[sflag:s15] =	ssyncset.done $0x0  }
0x16f: {  	s25 =	simm.s32 $0x2;
	s17 =	rddreg [dreg:$0x7];
	[sflag:s15] =	ssyncadd.s32 $0xFFFF0000  }
0x170: {  	[hbm4b:s17+s3] =	stream.linear.scatter [tilespmem:s18], [sflag:$0x2], $0x10000, $0x38;
	[tilespmem:$0x10080] =	vst v63  }
0x171: {  	_ =	swait.ge [sflag:s25], $0x10000  }
0x172: {  	[sflag:s25] =	ssyncset.done $0x0  }
0x173: {  	[sflag:s25] =	ssyncadd.s32 $0xFFFF0000  }
0x174: {  	v2 =	vld.msk [tilespmem:$0x20], $0xff;
	_ =	sdelay $0x4  }
0x175: {  	v3 =	vshll.u32 v2, $0x6  }
0x176: {  	v2 =	vand.u32 $0x7, v2;
	v3 =	vand.u32 $0xFFFFFE00, v3  }
0x177: {  	v2 =	vor.u32 v2, v3  }
0x178: {  	v2 =	vperm.xlane v2, v0;
	_ =	sdelay $0x1  }
0x179: {  	v2 =	vadd.s32 v1, v2;
	_ =	sdelay $0x3  }
0x17a: {  	s9 =	rddreg [dreg:$0x1]  }
0x17b: {  	[tilespmem:s18], [sflag:$0x1] =	stream.indirect_vreg.gather [hbm4b:s9+s3], $0x80, v2, vm0, $0xb8;
	[tilespmem:$0x10080] =	vst v63  }
0x17c: {  	s26 =	simm.s32 $0x880  }
0x17d: {  	[tilespmem:s26], [sflag:$0x1] =	stream.indirect_vreg.gather [hbm4b:s5+s3], $0x80, v2, vm0, $0xb8;
	[tilespmem:$0x10080] =	vst v63  }
0x17e: {  	s5 =	simm.s32 $0x1080  }
0x17f: {  	[tilespmem:s5], [sflag:$0x1] =	stream.indirect_vreg.gather [hbm4b:s10+s3], $0x80, v2, vm0, $0xb8;
	[tilespmem:$0x10080] =	vst v63  }
0x180: {  	s14 =	rddreg [dreg:$0x16];
	s9 =	simm.s32 $0x1880  }
0x181: {  	[tilespmem:s9], [sflag:$0x1] =	stream.indirect_vreg.gather [hbm4b:s14+s3], $0x80, v2, vm0, $0xb8;
	[tilespmem:$0x10080] =	vst v63  }
0x182: {  	s15 =	rddreg [dreg:$0x18];
	s25 =	smov.u32 s10;
	s10 =	simm.s32 $0x2080  }
0x183: {  	[tilespmem:s10], [sflag:$0x1] =	stream.indirect_vreg.gather [hbm4b:s15+s3], $0x80, v2, vm0, $0xb8;
	[tilespmem:$0x10080] =	vst v63  }
0x184: {  	s13 =	simm.s32 $0x2880;
	s17 =	rddreg [dreg:$0x19]  }
0x185: {  	[tilespmem:s13], [sflag:$0x1] =	stream.indirect_vreg.gather [hbm4b:s17+s3], $0x80, v2, vm0, $0xb8;
	[tilespmem:$0x10080] =	vst v63  }
0x186: {  	s18 =	simm.s32 $0x3080;
	s13 =	rddreg [dreg:$0x1a]  }
0x187: {  	[tilespmem:s18], [sflag:$0x1] =	stream.indirect_vreg.gather [hbm4b:s13+s3], $0x80, v2, vm0, $0xb8;
	[tilespmem:$0x10080] =	vst v63  }
0x188: {  	s26 =	simm.s32 $0x3880  }
0x189: {  	[tilespmem:s26], [sflag:$0x1] =	stream.indirect_vreg.gather [hbm4b:s19+s3], $0x80, v2, vm0, $0xb8;
	[tilespmem:$0x10080] =	vst v63  }
0x18a: {  	s5 =	simm.s32 $0x4080  }
0x18b: {  	[tilespmem:s5], [sflag:$0x1] =	stream.indirect_vreg.gather [hbm4b:s29+s3], $0x80, v2, vm0, $0xb8;
	[tilespmem:$0x10080] =	vst v63  }
0x18c: {  	s21 =	smov.u32 s23;
	s9 =	simm.s32 $0x4880  }
0x18d: {  	[tilespmem:s9], [sflag:$0x1] =	stream.indirect_vreg.gather [hbm4b:s11+s3], $0x80, v2, vm0, $0xb8;
	[tilespmem:$0x10080] =	vst v63  }
0x18e: {  	s23 =	smov.u32 s0;
	s0 =	smov.u32 s4;
	s10 =	simm.s32 $0x5080  }
0x18f: {  	[tilespmem:s10], [sflag:$0x1] =	stream.indirect_vreg.gather [hbm4b:s6+s3], $0x80, v2, vm0, $0xb8;
	[tilespmem:$0x10080] =	vst v63  }
0x190: {  	s4 =	smov.u32 s11;
	s11 =	simm.s32 $0x5880;
	s10 =	rddreg [dreg:$0x1f]  }
0x191: {  	[tilespmem:s11], [sflag:$0x1] =	stream.indirect_vreg.gather [hbm4b:s10+s3], $0x80, v2, vm0, $0xb8;
	[tilespmem:$0x10080] =	vst v63  }
0x192: {  	s11 =	sld [smem:$0x7EA];
	_ =	sdelay $0x1  }
0x193: {  	s18 =	smov.u32 s19;
	s19 =	simm.s32 $0x6080  }
0x194: {  	[tilespmem:s19], [sflag:$0x1] =	stream.indirect_vreg.gather [hbm4b:s11+s3], $0x80, v2, vm0, $0xb8;
	[tilespmem:$0x10080] =	vst v63  }
0x195: {  	s26 =	simm.s32 $0x6880  }
0x196: {  	[tilespmem:s26], [sflag:$0x1] =	stream.indirect_vreg.gather [hbm4b:s28+s3], $0x80, v2, vm0, $0xb8;
	[tilespmem:$0x10080] =	vst v63  }
0x197: {  	s6 =	sld [smem:$0x7ED];
	s19 =	smov.u32 s28;
	s28 =	simm.s32 $0x7080  }
0x198: {  	[tilespmem:s28], [sflag:$0x1] =	stream.indirect_vreg.gather [hbm4b:s1+s3], $0x80, v2, vm0, $0xb8;
	[tilespmem:$0x10080] =	vst v63  }
0x199: {  	s5 =	simm.s32 $0x7880  }
0x19a: {  	[tilespmem:s5], [sflag:$0x1] =	stream.indirect_vreg.gather [hbm4b:s6+s3], $0x80, v2, vm0, $0xb8;
	[tilespmem:$0x10080] =	vst v63  }
0x19b: {  	s9 =	simm.s32 $0x8080;
	s26 =	sld [smem:$0x7EF]  }
0x19c: {  	[tilespmem:s9], [sflag:$0x1] =	stream.indirect_vreg.gather [hbm4b:s31+s3], $0x80, v2, vm0, $0xb8;
	[tilespmem:$0x10080] =	vst v63  }
0x19d: {  	s28 =	simm.s32 $0x8880  }
0x19e: {  	[tilespmem:s28], [sflag:$0x1] =	stream.indirect_vreg.gather [hbm4b:s26+s3], $0x80, v2, vm0, $0xb8;
	[tilespmem:$0x10080] =	vst v63  }
0x19f: {  	s5 =	simm.s32 $0x9080  }
0x1a0: {  	[tilespmem:s5], [sflag:$0x1] =	stream.indirect_vreg.gather [hbm4b:s24+s3], $0x80, v2, vm0, $0xb8;
	[tilespmem:$0x10080] =	vst v63  }
0x1a1: {  	s9 =	simm.s32 $0x9880  }
0x1a2: {  	[tilespmem:s9], [sflag:$0x1] =	stream.indirect_vreg.gather [hbm4b:s21+s3], $0x80, v2, vm0, $0xb8;
	[tilespmem:$0x10080] =	vst v63  }
0x1a3: {  	s26 =	smov.u32 s21;
	s21 =	sld [smem:$0x7F2];
	_ =	sdelay $0x1  }
0x1a4: {  	s28 =	simm.s32 $0xA080  }
0x1a5: {  	[tilespmem:s28], [sflag:$0x1] =	stream.indirect_vreg.gather [hbm4b:s21+s3], $0x80, v2, vm0, $0xb8;
	[tilespmem:$0x10080] =	vst v63  }
0x1a6: {  	s5 =	simm.s32 $0xA880  }
0x1a7: {  	[tilespmem:s5], [sflag:$0x1] =	stream.indirect_vreg.gather [hbm4b:s23+s3], $0x80, v2, vm0, $0xb8;
	[tilespmem:$0x10080] =	vst v63  }
0x1a8: {  	s9 =	simm.s32 $0xB080  }
0x1a9: {  	[tilespmem:s9], [sflag:$0x1] =	stream.indirect_vreg.gather [hbm4b:s20+s3], $0x80, v2, vm0, $0xb8;
	[tilespmem:$0x10080] =	vst v63  }
0x1aa: {  	s1 =	sld [smem:$0x7F6];
	s21 =	simm.s32 $0xB880  }
0x1ab: {  	[tilespmem:s21], [sflag:$0x1] =	stream.indirect_vreg.gather [hbm4b:s22+s3], $0x80, v2, vm0, $0xb8;
	[tilespmem:$0x10080] =	vst v63  }
0x1ac: {  	s28 =	simm.s32 $0xC080  }
0x1ad: {  	[tilespmem:s28], [sflag:$0x1] =	stream.indirect_vreg.gather [hbm4b:s1+s3], $0x80, v2, vm0, $0xb8;
	[tilespmem:$0x10080] =	vst v63  }
0x1ae: {  	s9 =	simm.s32 $0xC880  }
0x1af: {  	[tilespmem:s9], [sflag:$0x1] =	stream.indirect_vreg.gather [hbm4b:s12+s3], $0x80, v2, vm0, $0xb8;
	[tilespmem:$0x10080] =	vst v63  }
0x1b0: {  	s21 =	smov.u32 s22;
	s22 =	simm.s32 $0xD080  }
0x1b1: {  	[tilespmem:s22], [sflag:$0x1] =	stream.indirect_vreg.gather [hbm4b:s7+s3], $0x80, v2, vm0, $0xb8;
	[tilespmem:$0x10080] =	vst v63  }
0x1b2: {  	s28 =	simm.s32 $0xD880  }
0x1b3: {  	[tilespmem:s28], [sflag:$0x1] =	stream.indirect_vreg.gather [hbm4b:s16+s3], $0x80, v2, vm0, $0xb8;
	[tilespmem:$0x10080] =	vst v63  }
0x1b4: {  	s9 =	simm.s32 $0xE080  }
0x1b5: {  	[tilespmem:s9], [sflag:$0x1] =	stream.indirect_vreg.gather [hbm4b:s2+s3], $0x80, v2, vm0, $0xb8;
	[tilespmem:$0x10080] =	vst v63  }
0x1b6: {  	s22 =	simm.s32 $0xE880  }
0x1b7: {  	[tilespmem:s22], [sflag:$0x1] =	stream.indirect_vreg.gather [hbm4b:s0+s3], $0x80, v2, vm0, $0xb8;
	[tilespmem:$0x10080] =	vst v63  }
0x1b8: {  	s5 =	simm.s32 $0xF080  }
0x1b9: {  	[tilespmem:s5], [sflag:$0x1] =	stream.indirect_vreg.gather [hbm4b:s8+s3], $0x80, v2, vm0, $0xb8;
	[tilespmem:$0x10080] =	vst v63  }
0x1ba: {  	s9 =	simm.s32 $0xF880;
	s22 =	simm.s32 $0x1  }
0x1bb: {  	[tilespmem:s9], [sflag:$0x1] =	stream.indirect_vreg.gather [hbm4b:s30+s3], $0x80, v2, vm0, $0xb8;
	[tilespmem:$0x10080] =	vst v63  }
0x1bc: {  	_ =	swait.ge [sflag:s22], $0x10000  }
0x1bd: {  	s28 =	smov.u32 s2;
	s2 =	simm.s32 $0x80;
	[sflag:s22] =	ssyncset.done $0x0  }
0x1be: {  	s5 =	rddreg [dreg:$0x8];
	[sflag:s22] =	ssyncadd.s32 $0xFFFF0000;
	s22 =	simm.s32 $0x2  }
0x1bf: {  	[hbm4b:s5+s3] =	stream.linear.scatter [tilespmem:s2], [sflag:$0x2], $0x10000, $0x38;
	[tilespmem:$0x10080] =	vst v63  }
0x1c0: {  	_ =	swait.ge [sflag:s22], $0x10000  }
0x1c1: {  	[sflag:s22] =	ssyncset.done $0x0  }
0x1c2: {  	[sflag:s22] =	ssyncadd.s32 $0xFFFF0000  }
0x1c3: {  	v2 =	vld.msk [tilespmem:$0x28], $0xff;
	_ =	sdelay $0x4  }
0x1c4: {  	v3 =	vshll.u32 v2, $0x6  }
0x1c5: {  	v2 =	vand.u32 $0x7, v2;
	v3 =	vand.u32 $0xFFFFFE00, v3  }
0x1c6: {  	v2 =	vor.u32 v2, v3  }
0x1c7: {  	v2 =	vperm.xlane v2, v0;
	_ =	sdelay $0x1  }
0x1c8: {  	v2 =	vadd.s32 v1, v2;
	_ =	sdelay $0x3  }
0x1c9: {  	s22 =	rddreg [dreg:$0x1]  }
0x1ca: {  	[tilespmem:s2], [sflag:$0x1] =	stream.indirect_vreg.gather [hbm4b:s22+s3], $0x80, v2, vm0, $0xb8;
	[tilespmem:$0x10080] =	vst v63  }
0x1cb: {  	s9 =	simm.s32 $0x880;
	s2 =	rddreg [dreg:$0x14]  }
0x1cc: {  	[tilespmem:s9], [sflag:$0x1] =	stream.indirect_vreg.gather [hbm4b:s2+s3], $0x80, v2, vm0, $0xb8;
	[tilespmem:$0x10080] =	vst v63  }
0x1cd: {  	s9 =	simm.s32 $0x1080  }
0x1ce: {  	[tilespmem:s9], [sflag:$0x1] =	stream.indirect_vreg.gather [hbm4b:s25+s3], $0x80, v2, vm0, $0xb8;
	[tilespmem:$0x10080] =	vst v63  }
0x1cf: {  	s9 =	simm.s32 $0x1880  }
0x1d0: {  	[tilespmem:s9], [sflag:$0x1] =	stream.indirect_vreg.gather [hbm4b:s14+s3], $0x80, v2, vm0, $0xb8;
	[tilespmem:$0x10080] =	vst v63  }
0x1d1: {  	s14 =	simm.s32 $0x2080  }
0x1d2: {  	[tilespmem:s14], [sflag:$0x1] =	stream.indirect_vreg.gather [hbm4b:s15+s3], $0x80, v2, vm0, $0xb8;
	[tilespmem:$0x10080] =	vst v63  }
0x1d3: {  	s15 =	simm.s32 $0x2880  }
0x1d4: {  	[tilespmem:s15], [sflag:$0x1] =	stream.indirect_vreg.gather [hbm4b:s17+s3], $0x80, v2, vm0, $0xb8;
	[tilespmem:$0x10080] =	vst v63  }
0x1d5: {  	s17 =	simm.s32 $0x3080  }
0x1d6: {  	[tilespmem:s17], [sflag:$0x1] =	stream.indirect_vreg.gather [hbm4b:s13+s3], $0x80, v2, vm0, $0xb8;
	[tilespmem:$0x10080] =	vst v63  }
0x1d7: {  	s9 =	simm.s32 $0x3880  }
0x1d8: {  	[tilespmem:s9], [sflag:$0x1] =	stream.indirect_vreg.gather [hbm4b:s18+s3], $0x80, v2, vm0, $0xb8;
	[tilespmem:$0x10080] =	vst v63  }
0x1d9: {  	s14 =	simm.s32 $0x4080  }
0x1da: {  	[tilespmem:s14], [sflag:$0x1] =	stream.indirect_vreg.gather [hbm4b:s29+s3], $0x80, v2, vm0, $0xb8;
	[tilespmem:$0x10080] =	vst v63  }
0x1db: {  	s5 =	rddreg [dreg:$0x1e];
	s15 =	simm.s32 $0x4880  }
0x1dc: {  	[tilespmem:s15], [sflag:$0x1] =	stream.indirect_vreg.gather [hbm4b:s4+s3], $0x80, v2, vm0, $0xb8;
	[tilespmem:$0x10080] =	vst v63  }
0x1dd: {  	s17 =	smov.u32 s13;
	s13 =	smov.u32 s18;
	s18 =	simm.s32 $0x5080  }
0x1de: {  	[tilespmem:s18], [sflag:$0x1] =	stream.indirect_vreg.gather [hbm4b:s5+s3], $0x80, v2, vm0, $0xb8;
	[tilespmem:$0x10080] =	vst v63  }
0x1df: {  	s9 =	simm.s32 $0x5880  }
0x1e0: {  	[tilespmem:s9], [sflag:$0x1] =	stream.indirect_vreg.gather [hbm4b:s10+s3], $0x80, v2, vm0, $0xb8;
	[tilespmem:$0x10080] =	vst v63  }
0x1e1: {  	s14 =	smov.u32 s10;
	s10 =	simm.s32 $0x6080  }
0x1e2: {  	[tilespmem:s10], [sflag:$0x1] =	stream.indirect_vreg.gather [hbm4b:s11+s3], $0x80, v2, vm0, $0xb8;
	[tilespmem:$0x10080] =	vst v63  }
0x1e3: {  	s18 =	simm.s32 $0x6880  }
0x1e4: {  	[tilespmem:s18], [sflag:$0x1] =	stream.indirect_vreg.gather [hbm4b:s19+s3], $0x80, v2, vm0, $0xb8;
	[tilespmem:$0x10080] =	vst v63  }
0x1e5: {  	s18 =	sld [smem:$0x7EC];
	_ =	sdelay $0x1  }
0x1e6: {  	s9 =	simm.s32 $0x7080  }
0x1e7: {  	[tilespmem:s9], [sflag:$0x1] =	stream.indirect_vreg.gather [hbm4b:s18+s3], $0x80, v2, vm0, $0xb8;
	[tilespmem:$0x10080] =	vst v63  }
0x1e8: {  	s10 =	simm.s32 $0x7880  }
0x1e9: {  	[tilespmem:s10], [sflag:$0x1] =	stream.indirect_vreg.gather [hbm4b:s6+s3], $0x80, v2, vm0, $0xb8;
	[tilespmem:$0x10080] =	vst v63  }
0x1ea: {  	s11 =	simm.s32 $0x8080;
	s10 =	sld [smem:$0x7EF]  }
0x1eb: {  	[tilespmem:s11], [sflag:$0x1] =	stream.indirect_vreg.gather [hbm4b:s31+s3], $0x80, v2, vm0, $0xb8;
	[tilespmem:$0x10080] =	vst v63  }
0x1ec: {  	s6 =	simm.s32 $0x8880  }
0x1ed: {  	[tilespmem:s6], [sflag:$0x1] =	stream.indirect_vreg.gather [hbm4b:s10+s3], $0x80, v2, vm0, $0xb8;
	[tilespmem:$0x10080] =	vst v63  }
0x1ee: {  	s9 =	simm.s32 $0x9080  }
0x1ef: {  	[tilespmem:s9], [sflag:$0x1] =	stream.indirect_vreg.gather [hbm4b:s24+s3], $0x80, v2, vm0, $0xb8;
	[tilespmem:$0x10080] =	vst v63  }
0x1f0: {  	s6 =	simm.s32 $0x9880  }
0x1f1: {  	[tilespmem:s6], [sflag:$0x1] =	stream.indirect_vreg.gather [hbm4b:s26+s3], $0x80, v2, vm0, $0xb8;
	[tilespmem:$0x10080] =	vst v63  }
0x1f2: {  	s26 =	sld [smem:$0x7F2];
	_ =	sdelay $0x1  }
0x1f3: {  	s9 =	simm.s32 $0xA080  }
0x1f4: {  	[tilespmem:s9], [sflag:$0x1] =	stream.indirect_vreg.gather [hbm4b:s26+s3], $0x80, v2, vm0, $0xb8;
	[tilespmem:$0x10080] =	vst v63  }
0x1f5: {  	s11 =	smov.u32 s24;
	s24 =	simm.s32 $0xA880  }
0x1f6: {  	[tilespmem:s24], [sflag:$0x1] =	stream.indirect_vreg.gather [hbm4b:s23+s3], $0x80, v2, vm0, $0xb8;
	[tilespmem:$0x10080] =	vst v63  }
0x1f7: {  	s9 =	simm.s32 $0xB080  }
0x1f8: {  	[tilespmem:s9], [sflag:$0x1] =	stream.indirect_vreg.gather [hbm4b:s20+s3], $0x80, v2, vm0, $0xb8;
	[tilespmem:$0x10080] =	vst v63  }
0x1f9: {  	s6 =	smov.u32 s23;
	s23 =	simm.s32 $0xB880  }
0x1fa: {  	[tilespmem:s23], [sflag:$0x1] =	stream.indirect_vreg.gather [hbm4b:s21+s3], $0x80, v2, vm0, $0xb8;
	[tilespmem:$0x10080] =	vst v63  }
0x1fb: {  	s24 =	simm.s32 $0xC080  }
0x1fc: {  	[tilespmem:s24], [sflag:$0x1] =	stream.indirect_vreg.gather [hbm4b:s1+s3], $0x80, v2, vm0, $0xb8;
	[tilespmem:$0x10080] =	vst v63  }
0x1fd: {  	s9 =	simm.s32 $0xC880  }
0x1fe: {  	[tilespmem:s9], [sflag:$0x1] =	stream.indirect_vreg.gather [hbm4b:s12+s3], $0x80, v2, vm0, $0xb8;
	[tilespmem:$0x10080] =	vst v63  }
0x1ff: {  	s12 =	simm.s32 $0xD080  }
0x200: {  	[tilespmem:s12], [sflag:$0x1] =	stream.indirect_vreg.gather [hbm4b:s7+s3], $0x80, v2, vm0, $0xb8;
	[tilespmem:$0x10080] =	vst v63  }
0x201: {  	s21 =	simm.s32 $0xD880  }
0x202: {  	[tilespmem:s21], [sflag:$0x1] =	stream.indirect_vreg.gather [hbm4b:s16+s3], $0x80, v2, vm0, $0xb8;
	[tilespmem:$0x10080] =	vst v63  }
0x203: {  	s23 =	simm.s32 $0xE080  }
0x204: {  	[tilespmem:s23], [sflag:$0x1] =	stream.indirect_vreg.gather [hbm4b:s28+s3], $0x80, v2, vm0, $0xb8;
	[tilespmem:$0x10080] =	vst v63  }
0x205: {  	s24 =	simm.s32 $0xE880  }
0x206: {  	[tilespmem:s24], [sflag:$0x1] =	stream.indirect_vreg.gather [hbm4b:s0+s3], $0x80, v2, vm0, $0xb8;
	[tilespmem:$0x10080] =	vst v63  }
0x207: {  	s28 =	simm.s32 $0xF080  }
0x208: {  	[tilespmem:s28], [sflag:$0x1] =	stream.indirect_vreg.gather [hbm4b:s8+s3], $0x80, v2, vm0, $0xb8;
	[tilespmem:$0x10080] =	vst v63  }
0x209: {  	s15 =	smov.u32 s4;
	s4 =	simm.s32 $0x1;
	s1 =	simm.s32 $0xF880  }
0x20a: {  	[tilespmem:s1], [sflag:$0x1] =	stream.indirect_vreg.gather [hbm4b:s30+s3], $0x80, v2, vm0, $0xb8;
	[tilespmem:$0x10080] =	vst v63  }
0x20b: {  	_ =	swait.ge [sflag:s4], $0x10000  }
0x20c: {  	s12 =	smov.u32 s7;
	s21 =	simm.s32 $0x80;
	[sflag:s4] =	ssyncset.done $0x0  }
0x20d: {  	s23 =	simm.s32 $0x2;
	s7 =	rddreg [dreg:$0x9];
	[sflag:s4] =	ssyncadd.s32 $0xFFFF0000  }
0x20e: {  	[hbm4b:s7+s3] =	stream.linear.scatter [tilespmem:s21], [sflag:$0x2], $0x10000, $0x38;
	[tilespmem:$0x10080] =	vst v63  }
0x20f: {  	_ =	swait.ge [sflag:s23], $0x10000  }
0x210: {  	[sflag:s23] =	ssyncset.done $0x0  }
0x211: {  	[sflag:s23] =	ssyncadd.s32 $0xFFFF0000  }
0x212: {  	v2 =	vld.msk [tilespmem:$0x30], $0xff;
	_ =	sdelay $0x4  }
0x213: {  	v3 =	vshll.u32 v2, $0x6  }
0x214: {  	v2 =	vand.u32 $0x7, v2;
	v3 =	vand.u32 $0xFFFFFE00, v3  }
0x215: {  	v2 =	vor.u32 v2, v3  }
0x216: {  	v2 =	vperm.xlane v2, v0;
	_ =	sdelay $0x1  }
0x217: {  	v2 =	vadd.s32 v1, v2;
	_ =	sdelay $0x4  }
0x218: {  	[tilespmem:s21], [sflag:$0x1] =	stream.indirect_vreg.gather [hbm4b:s22+s3], $0x80, v2, vm0, $0xb8;
	[tilespmem:$0x10080] =	vst v63  }
0x219: {  	s24 =	simm.s32 $0x880  }
0x21a: {  	[tilespmem:s24], [sflag:$0x1] =	stream.indirect_vreg.gather [hbm4b:s2+s3], $0x80, v2, vm0, $0xb8;
	[tilespmem:$0x10080] =	vst v63  }
0x21b: {  	s28 =	simm.s32 $0x1080  }
0x21c: {  	[tilespmem:s28], [sflag:$0x1] =	stream.indirect_vreg.gather [hbm4b:s25+s3], $0x80, v2, vm0, $0xb8;
	[tilespmem:$0x10080] =	vst v63  }
0x21d: {  	s8 =	smov.u32 s30;
	s30 =	simm.s32 $0x1880;
	s4 =	rddreg [dreg:$0x16]  }
0x21e: {  	[tilespmem:s30], [sflag:$0x1] =	stream.indirect_vreg.gather [hbm4b:s4+s3], $0x80, v2, vm0, $0xb8;
	[tilespmem:$0x10080] =	vst v63  }
0x21f: {  	s1 =	simm.s32 $0x2080;
	s7 =	smov.u32 s2;
	s2 =	rddreg [dreg:$0x18]  }
0x220: {  	[tilespmem:s1], [sflag:$0x1] =	stream.indirect_vreg.gather [hbm4b:s2+s3], $0x80, v2, vm0, $0xb8;
	[tilespmem:$0x10080] =	vst v63  }
0x221: {  	s9 =	simm.s32 $0x2880;
	s1 =	rddreg [dreg:$0x19]  }
0x222: {  	[tilespmem:s9], [sflag:$0x1] =	stream.indirect_vreg.gather [hbm4b:s1+s3], $0x80, v2, vm0, $0xb8;
	[tilespmem:$0x10080] =	vst v63  }
0x223: {  	s21 =	simm.s32 $0x3080  }
0x224: {  	[tilespmem:s21], [sflag:$0x1] =	stream.indirect_vreg.gather [hbm4b:s17+s3], $0x80, v2, vm0, $0xb8;
	[tilespmem:$0x10080] =	vst v63  }
0x225: {  	s22 =	simm.s32 $0x3880  }
0x226: {  	[tilespmem:s22], [sflag:$0x1] =	stream.indirect_vreg.gather [hbm4b:s13+s3], $0x80, v2, vm0, $0xb8;
	[tilespmem:$0x10080] =	vst v63  }
0x227: {  	s23 =	simm.s32 $0x4080  }
0x228: {  	[tilespmem:s23], [sflag:$0x1] =	stream.indirect_vreg.gather [hbm4b:s29+s3], $0x80, v2, vm0, $0xb8;
	[tilespmem:$0x10080] =	vst v63  }
0x229: {  	s24 =	simm.s32 $0x4880  }
0x22a: {  	[tilespmem:s24], [sflag:$0x1] =	stream.indirect_vreg.gather [hbm4b:s15+s3], $0x80, v2, vm0, $0xb8;
	[tilespmem:$0x10080] =	vst v63  }
0x22b: {  	s28 =	simm.s32 $0x5080  }
0x22c: {  	[tilespmem:s28], [sflag:$0x1] =	stream.indirect_vreg.gather [hbm4b:s5+s3], $0x80, v2, vm0, $0xb8;
	[tilespmem:$0x10080] =	vst v63  }
0x22d: {  	s29 =	simm.s32 $0x5880;
	s24 =	sld [smem:$0x7EA]  }
0x22e: {  	[tilespmem:s29], [sflag:$0x1] =	stream.indirect_vreg.gather [hbm4b:s14+s3], $0x80, v2, vm0, $0xb8;
	[tilespmem:$0x10080] =	vst v63  }
0x22f: {  	s30 =	smov.u32 s17;
	s17 =	smov.u32 s5;
	s5 =	simm.s32 $0x6080  }
0x230: {  	[tilespmem:s5], [sflag:$0x1] =	stream.indirect_vreg.gather [hbm4b:s24+s3], $0x80, v2, vm0, $0xb8;
	[tilespmem:$0x10080] =	vst v63  }
0x231: {  	s9 =	simm.s32 $0x6880  }
0x232: {  	[tilespmem:s9], [sflag:$0x1] =	stream.indirect_vreg.gather [hbm4b:s19+s3], $0x80, v2, vm0, $0xb8;
	[tilespmem:$0x10080] =	vst v63  }
0x233: {  	s21 =	simm.s32 $0x7080  }
0x234: {  	[tilespmem:s21], [sflag:$0x1] =	stream.indirect_vreg.gather [hbm4b:s18+s3], $0x80, v2, vm0, $0xb8;
	[tilespmem:$0x10080] =	vst v63  }
0x235: {  	s21 =	sld [smem:$0x7ED];
	_ =	sdelay $0x1  }
0x236: {  	s22 =	simm.s32 $0x7880  }
0x237: {  	[tilespmem:s22], [sflag:$0x1] =	stream.indirect_vreg.gather [hbm4b:s21+s3], $0x80, v2, vm0, $0xb8;
	[tilespmem:$0x10080] =	vst v63  }
0x238: {  	s23 =	simm.s32 $0x8080  }
0x239: {  	[tilespmem:s23], [sflag:$0x1] =	stream.indirect_vreg.gather [hbm4b:s31+s3], $0x80, v2, vm0, $0xb8;
	[tilespmem:$0x10080] =	vst v63  }
0x23a: {  	s28 =	simm.s32 $0x8880  }
0x23b: {  	[tilespmem:s28], [sflag:$0x1] =	stream.indirect_vreg.gather [hbm4b:s10+s3], $0x80, v2, vm0, $0xb8;
	[tilespmem:$0x10080] =	vst v63  }
0x23c: {  	s29 =	simm.s32 $0x9080;
	s23 =	sld [smem:$0x7F1]  }
0x23d: {  	[tilespmem:s29], [sflag:$0x1] =	stream.indirect_vreg.gather [hbm4b:s11+s3], $0x80, v2, vm0, $0xb8;
	[tilespmem:$0x10080] =	vst v63  }
0x23e: {  	s9 =	simm.s32 $0x9880  }
0x23f: {  	[tilespmem:s9], [sflag:$0x1] =	stream.indirect_vreg.gather [hbm4b:s23+s3], $0x80, v2, vm0, $0xb8;
	[tilespmem:$0x10080] =	vst v63  }
0x240: {  	s0 =	smov.u32 s10;
	s10 =	simm.s32 $0xA080  }
0x241: {  	[tilespmem:s10], [sflag:$0x1] =	stream.indirect_vreg.gather [hbm4b:s26+s3], $0x80, v2, vm0, $0xb8;
	[tilespmem:$0x10080] =	vst v63  }
0x242: {  	s22 =	simm.s32 $0xA880  }
0x243: {  	[tilespmem:s22], [sflag:$0x1] =	stream.indirect_vreg.gather [hbm4b:s6+s3], $0x80, v2, vm0, $0xb8;
	[tilespmem:$0x10080] =	vst v63  }
0x244: {  	s28 =	simm.s32 $0xB080;
	s22 =	sld [smem:$0x7F5]  }
0x245: {  	[tilespmem:s28], [sflag:$0x1] =	stream.indirect_vreg.gather [hbm4b:s20+s3], $0x80, v2, vm0, $0xb8;
	[tilespmem:$0x10080] =	vst v63  }
0x246: {  	s29 =	simm.s32 $0xB880;
	s28 =	sld [smem:$0x7F6]  }
0x247: {  	[tilespmem:s29], [sflag:$0x1] =	stream.indirect_vreg.gather [hbm4b:s22+s3], $0x80, v2, vm0, $0xb8;
	[tilespmem:$0x10080] =	vst v63  }
0x248: {  	s6 =	simm.s32 $0xC080;
	s29 =	sld [smem:$0x7F7]  }
0x249: {  	[tilespmem:s6], [sflag:$0x1] =	stream.indirect_vreg.gather [hbm4b:s28+s3], $0x80, v2, vm0, $0xb8;
	[tilespmem:$0x10080] =	vst v63  }
0x24a: {  	s9 =	simm.s32 $0xC880  }
0x24b: {  	[tilespmem:s9], [sflag:$0x1] =	stream.indirect_vreg.gather [hbm4b:s29+s3], $0x80, v2, vm0, $0xb8;
	[tilespmem:$0x10080] =	vst v63  }
0x24c: {  	s10 =	simm.s32 $0xD080  }
0x24d: {  	[tilespmem:s10], [sflag:$0x1] =	stream.indirect_vreg.gather [hbm4b:s12+s3], $0x80, v2, vm0, $0xb8;
	[tilespmem:$0x10080] =	vst v63  }
0x24e: {  	s6 =	simm.s32 $0xD880;
	s10 =	sld [smem:$0x7FA]  }
0x24f: {  	[tilespmem:s6], [sflag:$0x1] =	stream.indirect_vreg.gather [hbm4b:s16+s3], $0x80, v2, vm0, $0xb8;
	[tilespmem:$0x10080] =	vst v63  }
0x250: {  	s9 =	simm.s32 $0xE080;
	s6 =	sld [smem:$0x7FB]  }
0x251: {  	[tilespmem:s9], [sflag:$0x1] =	stream.indirect_vreg.gather [hbm4b:s10+s3], $0x80, v2, vm0, $0xb8;
	[tilespmem:$0x10080] =	vst v63  }
0x252: {  	s9 =	simm.s32 $0xE880  }
0x253: {  	[tilespmem:s9], [sflag:$0x1] =	stream.indirect_vreg.gather [hbm4b:s6+s3], $0x80, v2, vm0, $0xb8;
	[tilespmem:$0x10080] =	vst v63  }
0x254: {  	s6 =	sld [smem:$0x7FC];
	_ =	sdelay $0x1  }
0x255: {  	s9 =	simm.s32 $0xF080  }
0x256: {  	[tilespmem:s9], [sflag:$0x1] =	stream.indirect_vreg.gather [hbm4b:s6+s3], $0x80, v2, vm0, $0xb8;
	[tilespmem:$0x10080] =	vst v63  }
0x257: {  	s9 =	simm.s32 $0xF880;
	s6 =	simm.s32 $0x1  }
0x258: {  	[tilespmem:s9], [sflag:$0x1] =	stream.indirect_vreg.gather [hbm4b:s8+s3], $0x80, v2, vm0, $0xb8;
	[tilespmem:$0x10080] =	vst v63  }
0x259: {  	_ =	swait.ge [sflag:s6], $0x10000  }
0x25a: {  	[sflag:s6] =	ssyncset.done $0x0  }
0x25b: {  	s9 =	rddreg [dreg:$0xa];
	[sflag:s6] =	ssyncadd.s32 $0xFFFF0000;
	s6 =	simm.s32 $0x80  }
0x25c: {  	[hbm4b:s9+s3] =	stream.linear.scatter [tilespmem:s6], [sflag:$0x2], $0x10000, $0x38;
	[tilespmem:$0x10080] =	vst v63  }
0x25d: {  	s9 =	simm.s32 $0x2  }
0x25e: {  	_ =	swait.ge [sflag:s9], $0x10000  }
0x25f: {  	[sflag:s9] =	ssyncset.done $0x0  }
0x260: {  	[sflag:s9] =	ssyncadd.s32 $0xFFFF0000  }
0x261: {  	v2 =	vld.msk [tilespmem:$0x38], $0xff;
	_ =	sdelay $0x4  }
0x262: {  	v3 =	vshll.u32 v2, $0x6  }
0x263: {  	v2 =	vand.u32 $0x7, v2;
	v3 =	vand.u32 $0xFFFFFE00, v3  }
0x264: {  	v2 =	vor.u32 v2, v3  }
0x265: {  	v2 =	vperm.xlane v2, v0;
	_ =	sdelay $0x1  }
0x266: {  	v2 =	vadd.s32 v1, v2;
	_ =	sdelay $0x3  }
0x267: {  	s5 =	rddreg [dreg:$0x1]  }
0x268: {  	[tilespmem:s6], [sflag:$0x1] =	stream.indirect_vreg.gather [hbm4b:s5+s3], $0x80, v2, vm0, $0xb8;
	[tilespmem:$0x10080] =	vst v63  }
0x269: {  	s6 =	simm.s32 $0x880  }
0x26a: {  	[tilespmem:s6], [sflag:$0x1] =	stream.indirect_vreg.gather [hbm4b:s7+s3], $0x80, v2, vm0, $0xb8;
	[tilespmem:$0x10080] =	vst v63  }
0x26b: {  	s7 =	simm.s32 $0x1080  }
0x26c: {  	[tilespmem:s7], [sflag:$0x1] =	stream.indirect_vreg.gather [hbm4b:s25+s3], $0x80, v2, vm0, $0xb8;
	[tilespmem:$0x10080] =	vst v63  }
0x26d: {  	s9 =	simm.s32 $0x1880  }
0x26e: {  	[tilespmem:s9], [sflag:$0x1] =	stream.indirect_vreg.gather [hbm4b:s4+s3], $0x80, v2, vm0, $0xb8;
	[tilespmem:$0x10080] =	vst v63  }
0x26f: {  	s25 =	simm.s32 $0x2080  }
0x270: {  	[tilespmem:s25], [sflag:$0x1] =	stream.indirect_vreg.gather [hbm4b:s2+s3], $0x80, v2, vm0, $0xb8;
	[tilespmem:$0x10080] =	vst v63  }
0x271: {  	s5 =	simm.s32 $0x2880  }
0x272: {  	[tilespmem:s5], [sflag:$0x1] =	stream.indirect_vreg.gather [hbm4b:s1+s3], $0x80, v2, vm0, $0xb8;
	[tilespmem:$0x10080] =	vst v63  }
0x273: {  	s6 =	simm.s32 $0x3080  }
0x274: {  	[tilespmem:s6], [sflag:$0x1] =	stream.indirect_vreg.gather [hbm4b:s30+s3], $0x80, v2, vm0, $0xb8;
	[tilespmem:$0x10080] =	vst v63  }
0x275: {  	s7 =	simm.s32 $0x3880  }
0x276: {  	[tilespmem:s7], [sflag:$0x1] =	stream.indirect_vreg.gather [hbm4b:s13+s3], $0x80, v2, vm0, $0xb8;
	[tilespmem:$0x10080] =	vst v63  }
0x277: {  	s9 =	simm.s32 $0x4080;
	s5 =	smov.u32 s30;
	s30 =	rddreg [dreg:$0x1c]  }
0x278: {  	[tilespmem:s9], [sflag:$0x1] =	stream.indirect_vreg.gather [hbm4b:s30+s3], $0x80, v2, vm0, $0xb8;
	[tilespmem:$0x10080] =	vst v63  }
0x279: {  	s25 =	smov.u32 s13;
	s13 =	simm.s32 $0x4880  }
0x27a: {  	[tilespmem:s13], [sflag:$0x1] =	stream.indirect_vreg.gather [hbm4b:s15+s3], $0x80, v2, vm0, $0xb8;
	[tilespmem:$0x10080] =	vst v63  }
0x27b: {  	s2 =	simm.s32 $0x5080  }
0x27c: {  	[tilespmem:s2], [sflag:$0x1] =	stream.indirect_vreg.gather [hbm4b:s17+s3], $0x80, v2, vm0, $0xb8;
	[tilespmem:$0x10080] =	vst v63  }
0x27d: {  	s6 =	simm.s32 $0x5880  }
0x27e: {  	[tilespmem:s6], [sflag:$0x1] =	stream.indirect_vreg.gather [hbm4b:s14+s3], $0x80, v2, vm0, $0xb8;
	[tilespmem:$0x10080] =	vst v63  }
0x27f: {  	s7 =	simm.s32 $0x6080  }
0x280: {  	[tilespmem:s7], [sflag:$0x1] =	stream.indirect_vreg.gather [hbm4b:s24+s3], $0x80, v2, vm0, $0xb8;
	[tilespmem:$0x10080] =	vst v63  }
0x281: {  	s9 =	simm.s32 $0x6880  }
0x282: {  	[tilespmem:s9], [sflag:$0x1] =	stream.indirect_vreg.gather [hbm4b:s19+s3], $0x80, v2, vm0, $0xb8;
	[tilespmem:$0x10080] =	vst v63  }
0x283: {  	s13 =	simm.s32 $0x7080  }
0x284: {  	[tilespmem:s13], [sflag:$0x1] =	stream.indirect_vreg.gather [hbm4b:s18+s3], $0x80, v2, vm0, $0xb8;
	[tilespmem:$0x10080] =	vst v63  }
0x285: {  	s14 =	simm.s32 $0x7880  }
0x286: {  	[tilespmem:s14], [sflag:$0x1] =	stream.indirect_vreg.gather [hbm4b:s21+s3], $0x80, v2, vm0, $0xb8;
	[tilespmem:$0x10080] =	vst v63  }
0x287: {  	s4 =	smov.u32 s15;
	s15 =	simm.s32 $0x8080  }
0x288: {  	[tilespmem:s15], [sflag:$0x1] =	stream.indirect_vreg.gather [hbm4b:s31+s3], $0x80, v2, vm0, $0xb8;
	[tilespmem:$0x10080] =	vst v63  }
0x289: {  	s17 =	simm.s32 $0x8880  }
0x28a: {  	[tilespmem:s17], [sflag:$0x1] =	stream.indirect_vreg.gather [hbm4b:s0+s3], $0x80, v2, vm0, $0xb8;
	[tilespmem:$0x10080] =	vst v63  }
0x28b: {  	s2 =	smov.u32 s19;
	s19 =	simm.s32 $0x9080  }
0x28c: {  	[tilespmem:s19], [sflag:$0x1] =	stream.indirect_vreg.gather [hbm4b:s11+s3], $0x80, v2, vm0, $0xb8;
	[tilespmem:$0x10080] =	vst v63  }
0x28d: {  	s21 =	simm.s32 $0x9880  }
0x28e: {  	[tilespmem:s21], [sflag:$0x1] =	stream.indirect_vreg.gather [hbm4b:s23+s3], $0x80, v2, vm0, $0xb8;
	[tilespmem:$0x10080] =	vst v63  }
0x28f: {  	s23 =	simm.s32 $0xA080;
	s21 =	sld [smem:$0x7F3]  }
0x290: {  	[tilespmem:s23], [sflag:$0x1] =	stream.indirect_vreg.gather [hbm4b:s26+s3], $0x80, v2, vm0, $0xb8;
	[tilespmem:$0x10080] =	vst v63  }
0x291: {  	s1 =	simm.s32 $0xA880  }
0x292: {  	[tilespmem:s1], [sflag:$0x1] =	stream.indirect_vreg.gather [hbm4b:s21+s3], $0x80, v2, vm0, $0xb8;
	[tilespmem:$0x10080] =	vst v63  }
0x293: {  	s6 =	simm.s32 $0xB080  }
0x294: {  	[tilespmem:s6], [sflag:$0x1] =	stream.indirect_vreg.gather [hbm4b:s20+s3], $0x80, v2, vm0, $0xb8;
	[tilespmem:$0x10080] =	vst v63  }
0x295: {  	s7 =	simm.s32 $0xB880  }
0x296: {  	[tilespmem:s7], [sflag:$0x1] =	stream.indirect_vreg.gather [hbm4b:s22+s3], $0x80, v2, vm0, $0xb8;
	[tilespmem:$0x10080] =	vst v63  }
0x297: {  	s9 =	simm.s32 $0xC080  }
0x298: {  	[tilespmem:s9], [sflag:$0x1] =	stream.indirect_vreg.gather [hbm4b:s28+s3], $0x80, v2, vm0, $0xb8;
	[tilespmem:$0x10080] =	vst v63  }
0x299: {  	s13 =	simm.s32 $0xC880  }
0x29a: {  	[tilespmem:s13], [sflag:$0x1] =	stream.indirect_vreg.gather [hbm4b:s29+s3], $0x80, v2, vm0, $0xb8;
	[tilespmem:$0x10080] =	vst v63  }
0x29b: {  	s14 =	simm.s32 $0xD080  }
0x29c: {  	[tilespmem:s14], [sflag:$0x1] =	stream.indirect_vreg.gather [hbm4b:s12+s3], $0x80, v2, vm0, $0xb8;
	[tilespmem:$0x10080] =	vst v63  }
0x29d: {  	s17 =	smov.u32 s20;
	s20 =	simm.s32 $0xD880  }
0x29e: {  	[tilespmem:s20], [sflag:$0x1] =	stream.indirect_vreg.gather [hbm4b:s16+s3], $0x80, v2, vm0, $0xb8;
	[tilespmem:$0x10080] =	vst v63  }
0x29f: {  	s15 =	smov.u32 s12;
	s23 =	simm.s32 $0xE080;
	s12 =	sld [smem:$0x7FB]  }
0x2a0: {  	[tilespmem:s23], [sflag:$0x1] =	stream.indirect_vreg.gather [hbm4b:s10+s3], $0x80, v2, vm0, $0xb8;
	[tilespmem:$0x10080] =	vst v63  }
0x2a1: {  	s19 =	smov.u32 s29;
	s7 =	sld [smem:$0x7FC];
	s29 =	simm.s32 $0xE880  }
0x2a2: {  	[tilespmem:s29], [sflag:$0x1] =	stream.indirect_vreg.gather [hbm4b:s12+s3], $0x80, v2, vm0, $0xb8;
	[tilespmem:$0x10080] =	vst v63  }
0x2a3: {  	s1 =	simm.s32 $0xF080  }
0x2a4: {  	[tilespmem:s1], [sflag:$0x1] =	stream.indirect_vreg.gather [hbm4b:s7+s3], $0x80, v2, vm0, $0xb8;
	[tilespmem:$0x10080] =	vst v63  }
0x2a5: {  	s6 =	simm.s32 $0xF880;
	s9 =	simm.s32 $0x1  }
0x2a6: {  	[tilespmem:s6], [sflag:$0x1] =	stream.indirect_vreg.gather [hbm4b:s8+s3], $0x80, v2, vm0, $0xb8;
	[tilespmem:$0x10080] =	vst v63  }
0x2a7: {  	_ =	swait.ge [sflag:s9], $0x10000  }
0x2a8: {  	s13 =	simm.s32 $0x80;
	[sflag:s9] =	ssyncset.done $0x0  }
0x2a9: {  	s14 =	simm.s32 $0x2;
	s10 =	rddreg [dreg:$0xb];
	[sflag:s9] =	ssyncadd.s32 $0xFFFF0000  }
0x2aa: {  	[hbm4b:s10+s3] =	stream.linear.scatter [tilespmem:s13], [sflag:$0x2], $0x10000, $0x38;
	[tilespmem:$0x10080] =	vst v63  }
0x2ab: {  	_ =	swait.ge [sflag:s14], $0x10000  }
0x2ac: {  	[sflag:s14] =	ssyncset.done $0x0  }
0x2ad: {  	[sflag:s14] =	ssyncadd.s32 $0xFFFF0000  }
0x2ae: {  	v2 =	vld.msk [tilespmem:$0x40], $0xff;
	_ =	sdelay $0x4  }
0x2af: {  	v3 =	vshll.u32 v2, $0x6  }
0x2b0: {  	v2 =	vand.u32 $0x7, v2;
	v3 =	vand.u32 $0xFFFFFE00, v3  }
0x2b1: {  	v2 =	vor.u32 v2, v3  }
0x2b2: {  	v2 =	vperm.xlane v2, v0;
	_ =	sdelay $0x1  }
0x2b3: {  	v2 =	vadd.s32 v1, v2;
	_ =	sdelay $0x3  }
0x2b4: {  	s6 =	rddreg [dreg:$0x1]  }
0x2b5: {  	[tilespmem:s13], [sflag:$0x1] =	stream.indirect_vreg.gather [hbm4b:s6+s3], $0x80, v2, vm0, $0xb8;
	[tilespmem:$0x10080] =	vst v63  }
0x2b6: {  	s20 =	simm.s32 $0x880;
	s29 =	rddreg [dreg:$0x14]  }
0x2b7: {  	[tilespmem:s20], [sflag:$0x1] =	stream.indirect_vreg.gather [hbm4b:s29+s3], $0x80, v2, vm0, $0xb8;
	[tilespmem:$0x10080] =	vst v63  }
0x2b8: {  	s23 =	simm.s32 $0x1080;
	s1 =	rddreg [dreg:$0x15]  }
0x2b9: {  	[tilespmem:s23], [sflag:$0x1] =	stream.indirect_vreg.gather [hbm4b:s1+s3], $0x80, v2, vm0, $0xb8;
	[tilespmem:$0x10080] =	vst v63  }
0x2ba: {  	s9 =	simm.s32 $0x1880;
	s13 =	rddreg [dreg:$0x16]  }
0x2bb: {  	[tilespmem:s9], [sflag:$0x1] =	stream.indirect_vreg.gather [hbm4b:s13+s3], $0x80, v2, vm0, $0xb8;
	[tilespmem:$0x10080] =	vst v63  }
0x2bc: {  	s10 =	simm.s32 $0x2080;
	s14 =	rddreg [dreg:$0x18]  }
0x2bd: {  	[tilespmem:s10], [sflag:$0x1] =	stream.indirect_vreg.gather [hbm4b:s14+s3], $0x80, v2, vm0, $0xb8;
	[tilespmem:$0x10080] =	vst v63  }
0x2be: {  	s20 =	simm.s32 $0x2880;
	s23 =	rddreg [dreg:$0x19]  }
0x2bf: {  	[tilespmem:s20], [sflag:$0x1] =	stream.indirect_vreg.gather [hbm4b:s23+s3], $0x80, v2, vm0, $0xb8;
	[tilespmem:$0x10080] =	vst v63  }
0x2c0: {  	s0 =	smov.u32 s5;
	s10 =	simm.s32 $0x3080  }
0x2c1: {  	[tilespmem:s10], [sflag:$0x1] =	stream.indirect_vreg.gather [hbm4b:s0+s3], $0x80, v2, vm0, $0xb8;
	[tilespmem:$0x10080] =	vst v63  }
0x2c2: {  	s20 =	simm.s32 $0x3880  }
0x2c3: {  	[tilespmem:s20], [sflag:$0x1] =	stream.indirect_vreg.gather [hbm4b:s25+s3], $0x80, v2, vm0, $0xb8;
	[tilespmem:$0x10080] =	vst v63  }
0x2c4: {  	s23 =	simm.s32 $0x4080  }
0x2c5: {  	[tilespmem:s23], [sflag:$0x1] =	stream.indirect_vreg.gather [hbm4b:s30+s3], $0x80, v2, vm0, $0xb8;
	[tilespmem:$0x10080] =	vst v63  }
0x2c6: {  	s20 =	smov.u32 s30;
	s30 =	simm.s32 $0x4880  }
0x2c7: {  	[tilespmem:s30], [sflag:$0x1] =	stream.indirect_vreg.gather [hbm4b:s4+s3], $0x80, v2, vm0, $0xb8;
	[tilespmem:$0x10080] =	vst v63  }
0x2c8: {  	s5 =	simm.s32 $0x5080;
	s10 =	rddreg [dreg:$0x1e]  }
0x2c9: {  	[tilespmem:s5], [sflag:$0x1] =	stream.indirect_vreg.gather [hbm4b:s10+s3], $0x80, v2, vm0, $0xb8;
	[tilespmem:$0x10080] =	vst v63  }
0x2ca: {  	s23 =	simm.s32 $0x5880;
	s30 =	rddreg [dreg:$0x1f]  }
0x2cb: {  	[tilespmem:s23], [sflag:$0x1] =	stream.indirect_vreg.gather [hbm4b:s30+s3], $0x80, v2, vm0, $0xb8;
	[tilespmem:$0x10080] =	vst v63  }
0x2cc: {  	s9 =	simm.s32 $0x6080  }
0x2cd: {  	[tilespmem:s9], [sflag:$0x1] =	stream.indirect_vreg.gather [hbm4b:s24+s3], $0x80, v2, vm0, $0xb8;
	[tilespmem:$0x10080] =	vst v63  }
0x2ce: {  	s10 =	simm.s32 $0x6880  }
0x2cf: {  	[tilespmem:s10], [sflag:$0x1] =	stream.indirect_vreg.gather [hbm4b:s2+s3], $0x80, v2, vm0, $0xb8;
	[tilespmem:$0x10080] =	vst v63  }
0x2d0: {  	s23 =	simm.s32 $0x7080;
	s10 =	sld [smem:$0x7ED]  }
0x2d1: {  	[tilespmem:s23], [sflag:$0x1] =	stream.indirect_vreg.gather [hbm4b:s18+s3], $0x80, v2, vm0, $0xb8;
	[tilespmem:$0x10080] =	vst v63  }
0x2d2: {  	s30 =	simm.s32 $0x7880  }
0x2d3: {  	[tilespmem:s30], [sflag:$0x1] =	stream.indirect_vreg.gather [hbm4b:s10+s3], $0x80, v2, vm0, $0xb8;
	[tilespmem:$0x10080] =	vst v63  }
0x2d4: {  	s9 =	simm.s32 $0x8080;
	s23 =	smov.u32 s18;
	s18 =	sld [smem:$0x7EF]  }
0x2d5: {  	[tilespmem:s9], [sflag:$0x1] =	stream.indirect_vreg.gather [hbm4b:s31+s3], $0x80, v2, vm0, $0xb8;
	[tilespmem:$0x10080] =	vst v63  }
0x2d6: {  	s30 =	simm.s32 $0x8880  }
0x2d7: {  	[tilespmem:s30], [sflag:$0x1] =	stream.indirect_vreg.gather [hbm4b:s18+s3], $0x80, v2, vm0, $0xb8;
	[tilespmem:$0x10080] =	vst v63  }
0x2d8: {  	s9 =	simm.s32 $0x9080;
	s18 =	sld [smem:$0x7F1]  }
0x2d9: {  	[tilespmem:s9], [sflag:$0x1] =	stream.indirect_vreg.gather [hbm4b:s11+s3], $0x80, v2, vm0, $0xb8;
	[tilespmem:$0x10080] =	vst v63  }
0x2da: {  	s30 =	simm.s32 $0x9880  }
0x2db: {  	[tilespmem:s30], [sflag:$0x1] =	stream.indirect_vreg.gather [hbm4b:s18+s3], $0x80, v2, vm0, $0xb8;
	[tilespmem:$0x10080] =	vst v63  }
0x2dc: {  	s18 =	simm.s32 $0xA080  }
0x2dd: {  	[tilespmem:s18], [sflag:$0x1] =	stream.indirect_vreg.gather [hbm4b:s26+s3], $0x80, v2, vm0, $0xb8;
	[tilespmem:$0x10080] =	vst v63  }
0x2de: {  	s30 =	simm.s32 $0xA880  }
0x2df: {  	[tilespmem:s30], [sflag:$0x1] =	stream.indirect_vreg.gather [hbm4b:s21+s3], $0x80, v2, vm0, $0xb8;
	[tilespmem:$0x10080] =	vst v63  }
0x2e0: {  	s9 =	simm.s32 $0xB080  }
0x2e1: {  	[tilespmem:s9], [sflag:$0x1] =	stream.indirect_vreg.gather [hbm4b:s17+s3], $0x80, v2, vm0, $0xb8;
	[tilespmem:$0x10080] =	vst v63  }
0x2e2: {  	s18 =	simm.s32 $0xB880  }
0x2e3: {  	[tilespmem:s18], [sflag:$0x1] =	stream.indirect_vreg.gather [hbm4b:s22+s3], $0x80, v2, vm0, $0xb8;
	[tilespmem:$0x10080] =	vst v63  }
0x2e4: {  	s21 =	smov.u32 s17;
	s17 =	smov.u32 s22;
	s22 =	simm.s32 $0xC080  }
0x2e5: {  	[tilespmem:s22], [sflag:$0x1] =	stream.indirect_vreg.gather [hbm4b:s28+s3], $0x80, v2, vm0, $0xb8;
	[tilespmem:$0x10080] =	vst v63  }
0x2e6: {  	s30 =	simm.s32 $0xC880  }
0x2e7: {  	[tilespmem:s30], [sflag:$0x1] =	stream.indirect_vreg.gather [hbm4b:s19+s3], $0x80, v2, vm0, $0xb8;
	[tilespmem:$0x10080] =	vst v63  }
0x2e8: {  	s9 =	simm.s32 $0xD080  }
0x2e9: {  	[tilespmem:s9], [sflag:$0x1] =	stream.indirect_vreg.gather [hbm4b:s15+s3], $0x80, v2, vm0, $0xb8;
	[tilespmem:$0x10080] =	vst v63  }
0x2ea: {  	s18 =	simm.s32 $0xD880;
	s15 =	sld [smem:$0x7FA]  }
0x2eb: {  	[tilespmem:s18], [sflag:$0x1] =	stream.indirect_vreg.gather [hbm4b:s16+s3], $0x80, v2, vm0, $0xb8;
	[tilespmem:$0x10080] =	vst v63  }
0x2ec: {  	s19 =	simm.s32 $0xE080  }
0x2ed: {  	[tilespmem:s19], [sflag:$0x1] =	stream.indirect_vreg.gather [hbm4b:s15+s3], $0x80, v2, vm0, $0xb8;
	[tilespmem:$0x10080] =	vst v63  }
0x2ee: {  	s28 =	simm.s32 $0xE880  }
0x2ef: {  	[tilespmem:s28], [sflag:$0x1] =	stream.indirect_vreg.gather [hbm4b:s12+s3], $0x80, v2, vm0, $0xb8;
	[tilespmem:$0x10080] =	vst v63  }
0x2f0: {  	s30 =	simm.s32 $0xF080  }
0x2f1: {  	[tilespmem:s30], [sflag:$0x1] =	stream.indirect_vreg.gather [hbm4b:s7+s3], $0x80, v2, vm0, $0xb8;
	[tilespmem:$0x10080] =	vst v63  }
0x2f2: {  	s9 =	simm.s32 $0x1;
	s12 =	smov.u32 s7;
	s7 =	simm.s32 $0xF880  }
0x2f3: {  	[tilespmem:s7], [sflag:$0x1] =	stream.indirect_vreg.gather [hbm4b:s8+s3], $0x80, v2, vm0, $0xb8;
	[tilespmem:$0x10080] =	vst v63  }
0x2f4: {  	_ =	swait.ge [sflag:s9], $0x10000  }
0x2f5: {  	s22 =	smov.u32 s16;
	s18 =	simm.s32 $0x80;
	[sflag:s9] =	ssyncset.done $0x0  }
0x2f6: {  	s19 =	simm.s32 $0x2;
	s16 =	rddreg [dreg:$0xc];
	[sflag:s9] =	ssyncadd.s32 $0xFFFF0000  }
0x2f7: {  	[hbm4b:s16+s3] =	stream.linear.scatter [tilespmem:s18], [sflag:$0x2], $0x10000, $0x38;
	[tilespmem:$0x10080] =	vst v63  }
0x2f8: {  	_ =	swait.ge [sflag:s19], $0x10000  }
0x2f9: {  	[sflag:s19] =	ssyncset.done $0x0  }
0x2fa: {  	[sflag:s19] =	ssyncadd.s32 $0xFFFF0000  }
0x2fb: {  	v2 =	vld.msk [tilespmem:$0x48], $0xff;
	_ =	sdelay $0x4  }
0x2fc: {  	v3 =	vshll.u32 v2, $0x6  }
0x2fd: {  	v2 =	vand.u32 $0x7, v2;
	v3 =	vand.u32 $0xFFFFFE00, v3  }
0x2fe: {  	v2 =	vor.u32 v2, v3  }
0x2ff: {  	v2 =	vperm.xlane v2, v0;
	_ =	sdelay $0x1  }
0x300: {  	v2 =	vadd.s32 v1, v2;
	_ =	sdelay $0x4  }
0x301: {  	[tilespmem:s18], [sflag:$0x1] =	stream.indirect_vreg.gather [hbm4b:s6+s3], $0x80, v2, vm0, $0xb8;
	[tilespmem:$0x10080] =	vst v63  }
0x302: {  	s28 =	simm.s32 $0x880  }
0x303: {  	[tilespmem:s28], [sflag:$0x1] =	stream.indirect_vreg.gather [hbm4b:s29+s3], $0x80, v2, vm0, $0xb8;
	[tilespmem:$0x10080] =	vst v63  }
0x304: {  	s30 =	simm.s32 $0x1080  }
0x305: {  	[tilespmem:s30], [sflag:$0x1] =	stream.indirect_vreg.gather [hbm4b:s1+s3], $0x80, v2, vm0, $0xb8;
	[tilespmem:$0x10080] =	vst v63  }
0x306: {  	s6 =	simm.s32 $0x1880  }
0x307: {  	[tilespmem:s6], [sflag:$0x1] =	stream.indirect_vreg.gather [hbm4b:s13+s3], $0x80, v2, vm0, $0xb8;
	[tilespmem:$0x10080] =	vst v63  }
0x308: {  	s7 =	simm.s32 $0x2080  }
0x309: {  	[tilespmem:s7], [sflag:$0x1] =	stream.indirect_vreg.gather [hbm4b:s14+s3], $0x80, v2, vm0, $0xb8;
	[tilespmem:$0x10080] =	vst v63  }
0x30a: {  	s9 =	simm.s32 $0x2880;
	s18 =	smov.u32 s14;
	s14 =	rddreg [dreg:$0x19]  }
0x30b: {  	[tilespmem:s9], [sflag:$0x1] =	stream.indirect_vreg.gather [hbm4b:s14+s3], $0x80, v2, vm0, $0xb8;
	[tilespmem:$0x10080] =	vst v63  }
0x30c: {  	s19 =	smov.u32 s13;
	s13 =	simm.s32 $0x3080  }
0x30d: {  	[tilespmem:s13], [sflag:$0x1] =	stream.indirect_vreg.gather [hbm4b:s0+s3], $0x80, v2, vm0, $0xb8;
	[tilespmem:$0x10080] =	vst v63  }
0x30e: {  	s16 =	simm.s32 $0x3880  }
0x30f: {  	[tilespmem:s16], [sflag:$0x1] =	stream.indirect_vreg.gather [hbm4b:s25+s3], $0x80, v2, vm0, $0xb8;
	[tilespmem:$0x10080] =	vst v63  }
0x310: {  	s7 =	smov.u32 s25;
	s25 =	simm.s32 $0x4080  }
0x311: {  	[tilespmem:s25], [sflag:$0x1] =	stream.indirect_vreg.gather [hbm4b:s20+s3], $0x80, v2, vm0, $0xb8;
	[tilespmem:$0x10080] =	vst v63  }
0x312: {  	s28 =	simm.s32 $0x4880  }
0x313: {  	[tilespmem:s28], [sflag:$0x1] =	stream.indirect_vreg.gather [hbm4b:s4+s3], $0x80, v2, vm0, $0xb8;
	[tilespmem:$0x10080] =	vst v63  }
0x314: {  	s1 =	simm.s32 $0x5080;
	s13 =	smov.u32 s4;
	s4 =	rddreg [dreg:$0x1e]  }
0x315: {  	[tilespmem:s1], [sflag:$0x1] =	stream.indirect_vreg.gather [hbm4b:s4+s3], $0x80, v2, vm0, $0xb8;
	[tilespmem:$0x10080] =	vst v63  }
0x316: {  	s5 =	simm.s32 $0x5880;
	s16 =	rddreg [dreg:$0x1f]  }
0x317: {  	[tilespmem:s5], [sflag:$0x1] =	stream.indirect_vreg.gather [hbm4b:s16+s3], $0x80, v2, vm0, $0xb8;
	[tilespmem:$0x10080] =	vst v63  }
0x318: {  	s6 =	simm.s32 $0x6080  }
0x319: {  	[tilespmem:s6], [sflag:$0x1] =	stream.indirect_vreg.gather [hbm4b:s24+s3], $0x80, v2, vm0, $0xb8;
	[tilespmem:$0x10080] =	vst v63  }
0x31a: {  	s9 =	simm.s32 $0x6880  }
0x31b: {  	[tilespmem:s9], [sflag:$0x1] =	stream.indirect_vreg.gather [hbm4b:s2+s3], $0x80, v2, vm0, $0xb8;
	[tilespmem:$0x10080] =	vst v63  }
0x31c: {  	s29 =	smov.u32 s20;
	s20 =	simm.s32 $0x7080  }
0x31d: {  	[tilespmem:s20], [sflag:$0x1] =	stream.indirect_vreg.gather [hbm4b:s23+s3], $0x80, v2, vm0, $0xb8;
	[tilespmem:$0x10080] =	vst v63  }
0x31e: {  	s6 =	smov.u32 s23;
	s23 =	simm.s32 $0x7880  }
0x31f: {  	[tilespmem:s23], [sflag:$0x1] =	stream.indirect_vreg.gather [hbm4b:s10+s3], $0x80, v2, vm0, $0xb8;
	[tilespmem:$0x10080] =	vst v63  }
0x320: {  	s30 =	smov.u32 s0;
	s0 =	sld [smem:$0x7EF];
	s25 =	simm.s32 $0x8080  }
0x321: {  	[tilespmem:s25], [sflag:$0x1] =	stream.indirect_vreg.gather [hbm4b:s31+s3], $0x80, v2, vm0, $0xb8;
	[tilespmem:$0x10080] =	vst v63  }
0x322: {  	s28 =	simm.s32 $0x8880  }
0x323: {  	[tilespmem:s28], [sflag:$0x1] =	stream.indirect_vreg.gather [hbm4b:s0+s3], $0x80, v2, vm0, $0xb8;
	[tilespmem:$0x10080] =	vst v63  }
0x324: {  	s5 =	simm.s32 $0x9080;
	s23 =	sld [smem:$0x7F1]  }
0x325: {  	[tilespmem:s5], [sflag:$0x1] =	stream.indirect_vreg.gather [hbm4b:s11+s3], $0x80, v2, vm0, $0xb8;
	[tilespmem:$0x10080] =	vst v63  }
0x326: {  	s9 =	simm.s32 $0x9880  }
0x327: {  	[tilespmem:s9], [sflag:$0x1] =	stream.indirect_vreg.gather [hbm4b:s23+s3], $0x80, v2, vm0, $0xb8;
	[tilespmem:$0x10080] =	vst v63  }
0x328: {  	s10 =	simm.s32 $0xA080;
	s5 =	sld [smem:$0x7F3]  }
0x329: {  	[tilespmem:s10], [sflag:$0x1] =	stream.indirect_vreg.gather [hbm4b:s26+s3], $0x80, v2, vm0, $0xb8;
	[tilespmem:$0x10080] =	vst v63  }
0x32a: {  	s20 =	simm.s32 $0xA880  }
0x32b: {  	[tilespmem:s20], [sflag:$0x1] =	stream.indirect_vreg.gather [hbm4b:s5+s3], $0x80, v2, vm0, $0xb8;
	[tilespmem:$0x10080] =	vst v63  }
0x32c: {  	s25 =	simm.s32 $0xB080  }
0x32d: {  	[tilespmem:s25], [sflag:$0x1] =	stream.indirect_vreg.gather [hbm4b:s21+s3], $0x80, v2, vm0, $0xb8;
	[tilespmem:$0x10080] =	vst v63  }
0x32e: {  	s9 =	simm.s32 $0xB880  }
0x32f: {  	[tilespmem:s9], [sflag:$0x1] =	stream.indirect_vreg.gather [hbm4b:s17+s3], $0x80, v2, vm0, $0xb8;
	[tilespmem:$0x10080] =	vst v63  }
0x330: {  	s10 =	smov.u32 s17;
	s17 =	sld [smem:$0x7F6];
	_ =	sdelay $0x1  }
0x331: {  	s28 =	smov.u32 s21;
	s20 =	simm.s32 $0xC080;
	s21 =	sld [smem:$0x7F7]  }
0x332: {  	[tilespmem:s20], [sflag:$0x1] =	stream.indirect_vreg.gather [hbm4b:s17+s3], $0x80, v2, vm0, $0xb8;
	[tilespmem:$0x10080] =	vst v63  }
0x333: {  	s25 =	simm.s32 $0xC880  }
0x334: {  	[tilespmem:s25], [sflag:$0x1] =	stream.indirect_vreg.gather [hbm4b:s21+s3], $0x80, v2, vm0, $0xb8;
	[tilespmem:$0x10080] =	vst v63  }
0x335: {  	s25 =	sld [smem:$0x7F8];
	_ =	sdelay $0x1  }
0x336: {  	s17 =	simm.s32 $0xD080  }
0x337: {  	[tilespmem:s17], [sflag:$0x1] =	stream.indirect_vreg.gather [hbm4b:s25+s3], $0x80, v2, vm0, $0xb8;
	[tilespmem:$0x10080] =	vst v63  }
0x338: {  	s20 =	simm.s32 $0xD880  }
0x339: {  	[tilespmem:s20], [sflag:$0x1] =	stream.indirect_vreg.gather [hbm4b:s22+s3], $0x80, v2, vm0, $0xb8;
	[tilespmem:$0x10080] =	vst v63  }
0x33a: {  	s21 =	simm.s32 $0xE080  }
0x33b: {  	[tilespmem:s21], [sflag:$0x1] =	stream.indirect_vreg.gather [hbm4b:s15+s3], $0x80, v2, vm0, $0xb8;
	[tilespmem:$0x10080] =	vst v63  }
0x33c: {  	s1 =	smov.u32 s15;
	s15 =	sld [smem:$0x7FB];
	_ =	sdelay $0x1  }
0x33d: {  	s17 =	simm.s32 $0xE880  }
0x33e: {  	[tilespmem:s17], [sflag:$0x1] =	stream.indirect_vreg.gather [hbm4b:s15+s3], $0x80, v2, vm0, $0xb8;
	[tilespmem:$0x10080] =	vst v63  }
0x33f: {  	s20 =	simm.s32 $0xF080  }
0x340: {  	[tilespmem:s20], [sflag:$0x1] =	stream.indirect_vreg.gather [hbm4b:s12+s3], $0x80, v2, vm0, $0xb8;
	[tilespmem:$0x10080] =	vst v63  }
0x341: {  	s9 =	simm.s32 $0x1;
	s21 =	simm.s32 $0xF880  }
0x342: {  	[tilespmem:s21], [sflag:$0x1] =	stream.indirect_vreg.gather [hbm4b:s8+s3], $0x80, v2, vm0, $0xb8;
	[tilespmem:$0x10080] =	vst v63  }
0x343: {  	_ =	swait.ge [sflag:s9], $0x10000  }
0x344: {  	s17 =	simm.s32 $0x2;
	[sflag:s9] =	ssyncset.done $0x0  }
0x345: {  	s21 =	simm.s32 $0x80;
	s20 =	rddreg [dreg:$0xd];
	[sflag:s9] =	ssyncadd.s32 $0xFFFF0000  }
0x346: {  	[hbm4b:s20+s3] =	stream.linear.scatter [tilespmem:s21], [sflag:$0x2], $0x10000, $0x38;
	[tilespmem:$0x10080] =	vst v63  }
0x347: {  	_ =	swait.ge [sflag:s17], $0x10000  }
0x348: {  	[sflag:s17] =	ssyncset.done $0x0  }
0x349: {  	[sflag:s17] =	ssyncadd.s32 $0xFFFF0000  }
0x34a: {  	v2 =	vld.msk [tilespmem:$0x50], $0xff;
	_ =	sdelay $0x4  }
0x34b: {  	v3 =	vshll.u32 v2, $0x6  }
0x34c: {  	v2 =	vand.u32 $0x7, v2;
	v3 =	vand.u32 $0xFFFFFE00, v3  }
0x34d: {  	v2 =	vor.u32 v2, v3  }
0x34e: {  	v2 =	vperm.xlane v2, v0;
	_ =	sdelay $0x1  }
0x34f: {  	v2 =	vadd.s32 v1, v2;
	_ =	sdelay $0x3  }
0x350: {  	s9 =	rddreg [dreg:$0x1]  }
0x351: {  	[tilespmem:s21], [sflag:$0x1] =	stream.indirect_vreg.gather [hbm4b:s9+s3], $0x80, v2, vm0, $0xb8;
	[tilespmem:$0x10080] =	vst v63  }
0x352: {  	s20 =	rddreg [dreg:$0x14];
	s21 =	simm.s32 $0x880  }
0x353: {  	[tilespmem:s21], [sflag:$0x1] =	stream.indirect_vreg.gather [hbm4b:s20+s3], $0x80, v2, vm0, $0xb8;
	[tilespmem:$0x10080] =	vst v63  }
0x354: {  	s20 =	rddreg [dreg:$0x15];
	s21 =	simm.s32 $0x1080  }
0x355: {  	[tilespmem:s21], [sflag:$0x1] =	stream.indirect_vreg.gather [hbm4b:s20+s3], $0x80, v2, vm0, $0xb8;
	[tilespmem:$0x10080] =	vst v63  }
0x356: {  	s17 =	simm.s32 $0x1880  }
0x357: {  	[tilespmem:s17], [sflag:$0x1] =	stream.indirect_vreg.gather [hbm4b:s19+s3], $0x80, v2, vm0, $0xb8;
	[tilespmem:$0x10080] =	vst v63  }
0x358: {  	s19 =	simm.s32 $0x2080  }
0x359: {  	[tilespmem:s19], [sflag:$0x1] =	stream.indirect_vreg.gather [hbm4b:s18+s3], $0x80, v2, vm0, $0xb8;
	[tilespmem:$0x10080] =	vst v63  }
0x35a: {  	s20 =	simm.s32 $0x2880  }
0x35b: {  	[tilespmem:s20], [sflag:$0x1] =	stream.indirect_vreg.gather [hbm4b:s14+s3], $0x80, v2, vm0, $0xb8;
	[tilespmem:$0x10080] =	vst v63  }
0x35c: {  	s21 =	simm.s32 $0x3080  }
0x35d: {  	[tilespmem:s21], [sflag:$0x1] =	stream.indirect_vreg.gather [hbm4b:s30+s3], $0x80, v2, vm0, $0xb8;
	[tilespmem:$0x10080] =	vst v63  }
0x35e: {  	s19 =	smov.u32 s18;
	s18 =	smov.u32 s14;
	s14 =	simm.s32 $0x3880  }
0x35f: {  	[tilespmem:s14], [sflag:$0x1] =	stream.indirect_vreg.gather [hbm4b:s7+s3], $0x80, v2, vm0, $0xb8;
	[tilespmem:$0x10080] =	vst v63  }
0x360: {  	s17 =	simm.s32 $0x4080  }
0x361: {  	[tilespmem:s17], [sflag:$0x1] =	stream.indirect_vreg.gather [hbm4b:s29+s3], $0x80, v2, vm0, $0xb8;
	[tilespmem:$0x10080] =	vst v63  }
0x362: {  	s20 =	simm.s32 $0x4880  }
0x363: {  	[tilespmem:s20], [sflag:$0x1] =	stream.indirect_vreg.gather [hbm4b:s13+s3], $0x80, v2, vm0, $0xb8;
	[tilespmem:$0x10080] =	vst v63  }
0x364: {  	s21 =	simm.s32 $0x5080  }
0x365: {  	[tilespmem:s21], [sflag:$0x1] =	stream.indirect_vreg.gather [hbm4b:s4+s3], $0x80, v2, vm0, $0xb8;
	[tilespmem:$0x10080] =	vst v63  }
0x366: {  	s7 =	smov.u32 s29;
	s29 =	simm.s32 $0x5880  }
0x367: {  	[tilespmem:s29], [sflag:$0x1] =	stream.indirect_vreg.gather [hbm4b:s16+s3], $0x80, v2, vm0, $0xb8;
	[tilespmem:$0x10080] =	vst v63  }
0x368: {  	s20 =	smov.u32 s13;
	s13 =	simm.s32 $0x6080  }
0x369: {  	[tilespmem:s13], [sflag:$0x1] =	stream.indirect_vreg.gather [hbm4b:s24+s3], $0x80, v2, vm0, $0xb8;
	[tilespmem:$0x10080] =	vst v63  }
0x36a: {  	s14 =	simm.s32 $0x6880  }
0x36b: {  	[tilespmem:s14], [sflag:$0x1] =	stream.indirect_vreg.gather [hbm4b:s2+s3], $0x80, v2, vm0, $0xb8;
	[tilespmem:$0x10080] =	vst v63  }
0x36c: {  	s21 =	sld [smem:$0x7ED];
	s16 =	simm.s32 $0x7080  }
0x36d: {  	[tilespmem:s16], [sflag:$0x1] =	stream.indirect_vreg.gather [hbm4b:s6+s3], $0x80, v2, vm0, $0xb8;
	[tilespmem:$0x10080] =	vst v63  }
0x36e: {  	s17 =	simm.s32 $0x7880  }
0x36f: {  	[tilespmem:s17], [sflag:$0x1] =	stream.indirect_vreg.gather [hbm4b:s21+s3], $0x80, v2, vm0, $0xb8;
	[tilespmem:$0x10080] =	vst v63  }
0x370: {  	s29 =	simm.s32 $0x8080  }
0x371: {  	[tilespmem:s29], [sflag:$0x1] =	stream.indirect_vreg.gather [hbm4b:s31+s3], $0x80, v2, vm0, $0xb8;
	[tilespmem:$0x10080] =	vst v63  }
0x372: {  	s14 =	smov.u32 s6;
	s6 =	simm.s32 $0x8880  }
0x373: {  	[tilespmem:s6], [sflag:$0x1] =	stream.indirect_vreg.gather [hbm4b:s0+s3], $0x80, v2, vm0, $0xb8;
	[tilespmem:$0x10080] =	vst v63  }
0x374: {  	s9 =	simm.s32 $0x9080  }
0x375: {  	[tilespmem:s9], [sflag:$0x1] =	stream.indirect_vreg.gather [hbm4b:s11+s3], $0x80, v2, vm0, $0xb8;
	[tilespmem:$0x10080] =	vst v63  }
0x376: {  	s16 =	simm.s32 $0x9880  }
0x377: {  	[tilespmem:s16], [sflag:$0x1] =	stream.indirect_vreg.gather [hbm4b:s23+s3], $0x80, v2, vm0, $0xb8;
	[tilespmem:$0x10080] =	vst v63  }
0x378: {  	s17 =	simm.s32 $0xA080  }
0x379: {  	[tilespmem:s17], [sflag:$0x1] =	stream.indirect_vreg.gather [hbm4b:s26+s3], $0x80, v2, vm0, $0xb8;
	[tilespmem:$0x10080] =	vst v63  }
0x37a: {  	s6 =	smov.u32 s23;
	s23 =	simm.s32 $0xA880  }
0x37b: {  	[tilespmem:s23], [sflag:$0x1] =	stream.indirect_vreg.gather [hbm4b:s5+s3], $0x80, v2, vm0, $0xb8;
	[tilespmem:$0x10080] =	vst v63  }
0x37c: {  	s2 =	smov.u32 s26;
	s26 =	simm.s32 $0xB080  }
0x37d: {  	[tilespmem:s26], [sflag:$0x1] =	stream.indirect_vreg.gather [hbm4b:s28+s3], $0x80, v2, vm0, $0xb8;
	[tilespmem:$0x10080] =	vst v63  }
0x37e: {  	s29 =	simm.s32 $0xB880;
	s28 =	sld [smem:$0x7F6]  }
0x37f: {  	[tilespmem:s29], [sflag:$0x1] =	stream.indirect_vreg.gather [hbm4b:s10+s3], $0x80, v2, vm0, $0xb8;
	[tilespmem:$0x10080] =	vst v63  }
0x380: {  	s17 =	sld [smem:$0x7F7];
	s5 =	simm.s32 $0xC080  }
0x381: {  	[tilespmem:s5], [sflag:$0x1] =	stream.indirect_vreg.gather [hbm4b:s28+s3], $0x80, v2, vm0, $0xb8;
	[tilespmem:$0x10080] =	vst v63  }
0x382: {  	s9 =	simm.s32 $0xC880  }
0x383: {  	[tilespmem:s9], [sflag:$0x1] =	stream.indirect_vreg.gather [hbm4b:s17+s3], $0x80, v2, vm0, $0xb8;
	[tilespmem:$0x10080] =	vst v63  }
0x384: {  	s16 =	simm.s32 $0xD080  }
0x385: {  	[tilespmem:s16], [sflag:$0x1] =	stream.indirect_vreg.gather [hbm4b:s25+s3], $0x80, v2, vm0, $0xb8;
	[tilespmem:$0x10080] =	vst v63  }
0x386: {  	s23 =	simm.s32 $0xD880  }
0x387: {  	[tilespmem:s23], [sflag:$0x1] =	stream.indirect_vreg.gather [hbm4b:s22+s3], $0x80, v2, vm0, $0xb8;
	[tilespmem:$0x10080] =	vst v63  }
0x388: {  	s25 =	simm.s32 $0xE080  }
0x389: {  	[tilespmem:s25], [sflag:$0x1] =	stream.indirect_vreg.gather [hbm4b:s1+s3], $0x80, v2, vm0, $0xb8;
	[tilespmem:$0x10080] =	vst v63  }
0x38a: {  	s26 =	simm.s32 $0xE880  }
0x38b: {  	[tilespmem:s26], [sflag:$0x1] =	stream.indirect_vreg.gather [hbm4b:s15+s3], $0x80, v2, vm0, $0xb8;
	[tilespmem:$0x10080] =	vst v63  }
0x38c: {  	s29 =	simm.s32 $0xF080  }
0x38d: {  	[tilespmem:s29], [sflag:$0x1] =	stream.indirect_vreg.gather [hbm4b:s12+s3], $0x80, v2, vm0, $0xb8;
	[tilespmem:$0x10080] =	vst v63  }
0x38e: {  	s5 =	smov.u32 s1;
	s9 =	simm.s32 $0x1;
	s1 =	simm.s32 $0xF880  }
0x38f: {  	[tilespmem:s1], [sflag:$0x1] =	stream.indirect_vreg.gather [hbm4b:s8+s3], $0x80, v2, vm0, $0xb8;
	[tilespmem:$0x10080] =	vst v63  }
0x390: {  	_ =	swait.ge [sflag:s9], $0x10000  }
0x391: {  	s23 =	simm.s32 $0x2;
	[sflag:s9] =	ssyncset.done $0x0  }
0x392: {  	s15 =	simm.s32 $0x80;
	s12 =	rddreg [dreg:$0xe];
	[sflag:s9] =	ssyncadd.s32 $0xFFFF0000  }
0x393: {  	[hbm4b:s12+s3] =	stream.linear.scatter [tilespmem:s15], [sflag:$0x2], $0x10000, $0x38;
	[tilespmem:$0x10080] =	vst v63  }
0x394: {  	_ =	swait.ge [sflag:s23], $0x10000  }
0x395: {  	[sflag:s23] =	ssyncset.done $0x0  }
0x396: {  	[sflag:s23] =	ssyncadd.s32 $0xFFFF0000  }
0x397: {  	v2 =	vld.msk [tilespmem:$0x58], $0xff;
	_ =	sdelay $0x4  }
0x398: {  	v3 =	vshll.u32 v2, $0x6  }
0x399: {  	v2 =	vand.u32 $0x7, v2;
	v3 =	vand.u32 $0xFFFFFE00, v3  }
0x39a: {  	v2 =	vor.u32 v2, v3  }
0x39b: {  	v2 =	vperm.xlane v2, v0;
	_ =	sdelay $0x1  }
0x39c: {  	v2 =	vadd.s32 v1, v2;
	_ =	sdelay $0x3  }
0x39d: {  	s29 =	rddreg [dreg:$0x1]  }
0x39e: {  	[tilespmem:s15], [sflag:$0x1] =	stream.indirect_vreg.gather [hbm4b:s29+s3], $0x80, v2, vm0, $0xb8;
	[tilespmem:$0x10080] =	vst v63  }
0x39f: {  	s25 =	simm.s32 $0x880;
	s1 =	rddreg [dreg:$0x14]  }
0x3a0: {  	[tilespmem:s25], [sflag:$0x1] =	stream.indirect_vreg.gather [hbm4b:s1+s3], $0x80, v2, vm0, $0xb8;
	[tilespmem:$0x10080] =	vst v63  }
0x3a1: {  	s26 =	simm.s32 $0x1080;
	s15 =	rddreg [dreg:$0x15]  }
0x3a2: {  	[tilespmem:s26], [sflag:$0x1] =	stream.indirect_vreg.gather [hbm4b:s15+s3], $0x80, v2, vm0, $0xb8;
	[tilespmem:$0x10080] =	vst v63  }
0x3a3: {  	s9 =	simm.s32 $0x1880;
	s25 =	rddreg [dreg:$0x16]  }
0x3a4: {  	[tilespmem:s9], [sflag:$0x1] =	stream.indirect_vreg.gather [hbm4b:s25+s3], $0x80, v2, vm0, $0xb8;
	[tilespmem:$0x10080] =	vst v63  }
0x3a5: {  	s12 =	simm.s32 $0x2080  }
0x3a6: {  	[tilespmem:s12], [sflag:$0x1] =	stream.indirect_vreg.gather [hbm4b:s19+s3], $0x80, v2, vm0, $0xb8;
	[tilespmem:$0x10080] =	vst v63  }
0x3a7: {  	s23 =	simm.s32 $0x2880  }
0x3a8: {  	[tilespmem:s23], [sflag:$0x1] =	stream.indirect_vreg.gather [hbm4b:s18+s3], $0x80, v2, vm0, $0xb8;
	[tilespmem:$0x10080] =	vst v63  }
0x3a9: {  	s26 =	simm.s32 $0x3080  }
0x3aa: {  	[tilespmem:s26], [sflag:$0x1] =	stream.indirect_vreg.gather [hbm4b:s30+s3], $0x80, v2, vm0, $0xb8;
	[tilespmem:$0x10080] =	vst v63  }
0x3ab: {  	s9 =	simm.s32 $0x3880;
	s18 =	rddreg [dreg:$0x1b]  }
0x3ac: {  	[tilespmem:s9], [sflag:$0x1] =	stream.indirect_vreg.gather [hbm4b:s18+s3], $0x80, v2, vm0, $0xb8;
	[tilespmem:$0x10080] =	vst v63  }
0x3ad: {  	s12 =	simm.s32 $0x4080  }
0x3ae: {  	[tilespmem:s12], [sflag:$0x1] =	stream.indirect_vreg.gather [hbm4b:s7+s3], $0x80, v2, vm0, $0xb8;
	[tilespmem:$0x10080] =	vst v63  }
0x3af: {  	s23 =	simm.s32 $0x4880  }
0x3b0: {  	[tilespmem:s23], [sflag:$0x1] =	stream.indirect_vreg.gather [hbm4b:s20+s3], $0x80, v2, vm0, $0xb8;
	[tilespmem:$0x10080] =	vst v63  }
0x3b1: {  	s26 =	simm.s32 $0x5080  }
0x3b2: {  	[tilespmem:s26], [sflag:$0x1] =	stream.indirect_vreg.gather [hbm4b:s4+s3], $0x80, v2, vm0, $0xb8;
	[tilespmem:$0x10080] =	vst v63  }
0x3b3: {  	s9 =	rddreg [dreg:$0x1f];
	s23 =	simm.s32 $0x5880  }
0x3b4: {  	[tilespmem:s23], [sflag:$0x1] =	stream.indirect_vreg.gather [hbm4b:s9+s3], $0x80, v2, vm0, $0xb8;
	[tilespmem:$0x10080] =	vst v63  }
0x3b5: {  	s12 =	smov.u32 s4;
	s26 =	simm.s32 $0x6080;
	s4 =	sld [smem:$0x7EB]  }
0x3b6: {  	[tilespmem:s26], [sflag:$0x1] =	stream.indirect_vreg.gather [hbm4b:s24+s3], $0x80, v2, vm0, $0xb8;
	[tilespmem:$0x10080] =	vst v63  }
0x3b7: {  	s9 =	simm.s32 $0x6880  }
0x3b8: {  	[tilespmem:s9], [sflag:$0x1] =	stream.indirect_vreg.gather [hbm4b:s4+s3], $0x80, v2, vm0, $0xb8;
	[tilespmem:$0x10080] =	vst v63  }
0x3b9: {  	s23 =	simm.s32 $0x7080  }
0x3ba: {  	[tilespmem:s23], [sflag:$0x1] =	stream.indirect_vreg.gather [hbm4b:s14+s3], $0x80, v2, vm0, $0xb8;
	[tilespmem:$0x10080] =	vst v63  }
0x3bb: {  	s26 =	simm.s32 $0x7880  }
0x3bc: {  	[tilespmem:s26], [sflag:$0x1] =	stream.indirect_vreg.gather [hbm4b:s21+s3], $0x80, v2, vm0, $0xb8;
	[tilespmem:$0x10080] =	vst v63  }
0x3bd: {  	s4 =	simm.s32 $0x8080  }
0x3be: {  	[tilespmem:s4], [sflag:$0x1] =	stream.indirect_vreg.gather [hbm4b:s31+s3], $0x80, v2, vm0, $0xb8;
	[tilespmem:$0x10080] =	vst v63  }
0x3bf: {  	s13 =	smov.u32 s0;
	s9 =	simm.s32 $0x8880  }
0x3c0: {  	[tilespmem:s9], [sflag:$0x1] =	stream.indirect_vreg.gather [hbm4b:s13+s3], $0x80, v2, vm0, $0xb8;
	[tilespmem:$0x10080] =	vst v63  }
0x3c1: {  	s13 =	simm.s32 $0x9080  }
0x3c2: {  	[tilespmem:s13], [sflag:$0x1] =	stream.indirect_vreg.gather [hbm4b:s11+s3], $0x80, v2, vm0, $0xb8;
	[tilespmem:$0x10080] =	vst v63  }
0x3c3: {  	s0 =	smov.u32 s2;
	s14 =	simm.s32 $0x9880  }
0x3c4: {  	[tilespmem:s14], [sflag:$0x1] =	stream.indirect_vreg.gather [hbm4b:s6+s3], $0x80, v2, vm0, $0xb8;
	[tilespmem:$0x10080] =	vst v63  }
0x3c5: {  	s23 =	smov.u32 s11;
	s31 =	simm.s32 $0xA080;
	s11 =	sld [smem:$0x7F3]  }
0x3c6: {  	[tilespmem:s31], [sflag:$0x1] =	stream.indirect_vreg.gather [hbm4b:s0+s3], $0x80, v2, vm0, $0xb8;
	[tilespmem:$0x10080] =	vst v63  }
0x3c7: {  	s4 =	simm.s32 $0xA880;
	s13 =	sld [smem:$0x7F4]  }
0x3c8: {  	[tilespmem:s4], [sflag:$0x1] =	stream.indirect_vreg.gather [hbm4b:s11+s3], $0x80, v2, vm0, $0xb8;
	[tilespmem:$0x10080] =	vst v63  }
0x3c9: {  	s26 =	smov.u32 s6;
	s6 =	simm.s32 $0xB080  }
0x3ca: {  	[tilespmem:s6], [sflag:$0x1] =	stream.indirect_vreg.gather [hbm4b:s13+s3], $0x80, v2, vm0, $0xb8;
	[tilespmem:$0x10080] =	vst v63  }
0x3cb: {  	s9 =	simm.s32 $0xB880  }
0x3cc: {  	[tilespmem:s9], [sflag:$0x1] =	stream.indirect_vreg.gather [hbm4b:s10+s3], $0x80, v2, vm0, $0xb8;
	[tilespmem:$0x10080] =	vst v63  }
0x3cd: {  	s10 =	simm.s32 $0xC080  }
0x3ce: {  	[tilespmem:s10], [sflag:$0x1] =	stream.indirect_vreg.gather [hbm4b:s28+s3], $0x80, v2, vm0, $0xb8;
	[tilespmem:$0x10080] =	vst v63  }
0x3cf: {  	s14 =	simm.s32 $0xC880;
	s10 =	sld [smem:$0x7F8]  }
0x3d0: {  	[tilespmem:s14], [sflag:$0x1] =	stream.indirect_vreg.gather [hbm4b:s17+s3], $0x80, v2, vm0, $0xb8;
	[tilespmem:$0x10080] =	vst v63  }
0x3d1: {  	s28 =	smov.u32 s17;
	s17 =	simm.s32 $0xD080  }
0x3d2: {  	[tilespmem:s17], [sflag:$0x1] =	stream.indirect_vreg.gather [hbm4b:s10+s3], $0x80, v2, vm0, $0xb8;
	[tilespmem:$0x10080] =	vst v63  }
0x3d3: {  	s31 =	simm.s32 $0xD880  }
0x3d4: {  	[tilespmem:s31], [sflag:$0x1] =	stream.indirect_vreg.gather [hbm4b:s22+s3], $0x80, v2, vm0, $0xb8;
	[tilespmem:$0x10080] =	vst v63  }
0x3d5: {  	s4 =	simm.s32 $0xE080;
	s14 =	sld [smem:$0x7FB]  }
0x3d6: {  	[tilespmem:s4], [sflag:$0x1] =	stream.indirect_vreg.gather [hbm4b:s5+s3], $0x80, v2, vm0, $0xb8;
	[tilespmem:$0x10080] =	vst v63  }
0x3d7: {  	s6 =	simm.s32 $0xE880;
	s5 =	sld [smem:$0x7FC]  }
0x3d8: {  	[tilespmem:s6], [sflag:$0x1] =	stream.indirect_vreg.gather [hbm4b:s14+s3], $0x80, v2, vm0, $0xb8;
	[tilespmem:$0x10080] =	vst v63  }
0x3d9: {  	s9 =	simm.s32 $0xF080  }
0x3da: {  	[tilespmem:s9], [sflag:$0x1] =	stream.indirect_vreg.gather [hbm4b:s5+s3], $0x80, v2, vm0, $0xb8;
	[tilespmem:$0x10080] =	vst v63  }
0x3db: {  	s17 =	simm.s32 $0xF880;
	s31 =	simm.s32 $0x1  }
0x3dc: {  	[tilespmem:s17], [sflag:$0x1] =	stream.indirect_vreg.gather [hbm4b:s8+s3], $0x80, v2, vm0, $0xb8;
	[tilespmem:$0x10080] =	vst v63  }
0x3dd: {  	_ =	swait.ge [sflag:s31], $0x10000  }
0x3de: {  	s16 =	simm.s32 $0x2;
	[sflag:s31] =	ssyncset.done $0x0  }
0x3df: {  	s6 =	simm.s32 $0x80;
	s4 =	rddreg [dreg:$0xf];
	[sflag:s31] =	ssyncadd.s32 $0xFFFF0000  }
0x3e0: {  	[hbm4b:s4+s3] =	stream.linear.scatter [tilespmem:s6], [sflag:$0x2], $0x10000, $0x38;
	[tilespmem:$0x10080] =	vst v63  }
0x3e1: {  	_ =	swait.ge [sflag:s16], $0x10000  }
0x3e2: {  	[sflag:s16] =	ssyncset.done $0x0  }
0x3e3: {  	[sflag:s16] =	ssyncadd.s32 $0xFFFF0000  }
0x3e4: {  	v2 =	vld.msk [tilespmem:$0x60], $0xff;
	_ =	sdelay $0x4  }
0x3e5: {  	v3 =	vshll.u32 v2, $0x6  }
0x3e6: {  	v2 =	vand.u32 $0x7, v2;
	v3 =	vand.u32 $0xFFFFFE00, v3  }
0x3e7: {  	v2 =	vor.u32 v2, v3  }
0x3e8: {  	v2 =	vperm.xlane v2, v0;
	_ =	sdelay $0x1  }
0x3e9: {  	v2 =	vadd.s32 v1, v2;
	_ =	sdelay $0x4  }
0x3ea: {  	[tilespmem:s6], [sflag:$0x1] =	stream.indirect_vreg.gather [hbm4b:s29+s3], $0x80, v2, vm0, $0xb8;
	[tilespmem:$0x10080] =	vst v63  }
0x3eb: {  	s9 =	simm.s32 $0x880  }
0x3ec: {  	[tilespmem:s9], [sflag:$0x1] =	stream.indirect_vreg.gather [hbm4b:s1+s3], $0x80, v2, vm0, $0xb8;
	[tilespmem:$0x10080] =	vst v63  }
0x3ed: {  	s17 =	simm.s32 $0x1080  }
0x3ee: {  	[tilespmem:s17], [sflag:$0x1] =	stream.indirect_vreg.gather [hbm4b:s15+s3], $0x80, v2, vm0, $0xb8;
	[tilespmem:$0x10080] =	vst v63  }
0x3ef: {  	s29 =	simm.s32 $0x1880  }
0x3f0: {  	[tilespmem:s29], [sflag:$0x1] =	stream.indirect_vreg.gather [hbm4b:s25+s3], $0x80, v2, vm0, $0xb8;
	[tilespmem:$0x10080] =	vst v63  }
0x3f1: {  	s2 =	simm.s32 $0x2080  }
0x3f2: {  	[tilespmem:s2], [sflag:$0x1] =	stream.indirect_vreg.gather [hbm4b:s19+s3], $0x80, v2, vm0, $0xb8;
	[tilespmem:$0x10080] =	vst v63  }
0x3f3: {  	s4 =	simm.s32 $0x2880;
	s29 =	smov.u32 s19;
	s19 =	rddreg [dreg:$0x19]  }
0x3f4: {  	[tilespmem:s4], [sflag:$0x1] =	stream.indirect_vreg.gather [hbm4b:s19+s3], $0x80, v2, vm0, $0xb8;
	[tilespmem:$0x10080] =	vst v63  }
0x3f5: {  	s6 =	simm.s32 $0x3080  }
0x3f6: {  	[tilespmem:s6], [sflag:$0x1] =	stream.indirect_vreg.gather [hbm4b:s30+s3], $0x80, v2, vm0, $0xb8;
	[tilespmem:$0x10080] =	vst v63  }
0x3f7: {  	s9 =	simm.s32 $0x3880  }
0x3f8: {  	[tilespmem:s9], [sflag:$0x1] =	stream.indirect_vreg.gather [hbm4b:s18+s3], $0x80, v2, vm0, $0xb8;
	[tilespmem:$0x10080] =	vst v63  }
0x3f9: {  	s17 =	smov.u32 s30;
	s30 =	simm.s32 $0x4080  }
0x3fa: {  	[tilespmem:s30], [sflag:$0x1] =	stream.indirect_vreg.gather [hbm4b:s7+s3], $0x80, v2, vm0, $0xb8;
	[tilespmem:$0x10080] =	vst v63  }
0x3fb: {  	s2 =	simm.s32 $0x4880  }
0x3fc: {  	[tilespmem:s2], [sflag:$0x1] =	stream.indirect_vreg.gather [hbm4b:s20+s3], $0x80, v2, vm0, $0xb8;
	[tilespmem:$0x10080] =	vst v63  }
0x3fd: {  	s31 =	smov.u32 s1;
	s6 =	simm.s32 $0x5080  }
0x3fe: {  	[tilespmem:s6], [sflag:$0x1] =	stream.indirect_vreg.gather [hbm4b:s12+s3], $0x80, v2, vm0, $0xb8;
	[tilespmem:$0x10080] =	vst v63  }
0x3ff: {  	s1 =	smov.u32 s12;
	s9 =	simm.s32 $0x5880;
	s12 =	rddreg [dreg:$0x1f]  }
0x400: {  	[tilespmem:s9], [sflag:$0x1] =	stream.indirect_vreg.gather [hbm4b:s12+s3], $0x80, v2, vm0, $0xb8;
	[tilespmem:$0x10080] =	vst v63  }
0x401: {  	s4 =	smov.u32 s20;
	s20 =	simm.s32 $0x6080;
	s2 =	sld [smem:$0x7EB]  }
0x402: {  	[tilespmem:s20], [sflag:$0x1] =	stream.indirect_vreg.gather [hbm4b:s24+s3], $0x80, v2, vm0, $0xb8;
	[tilespmem:$0x10080] =	vst v63  }
0x403: {  	s30 =	simm.s32 $0x6880;
	s20 =	sld [smem:$0x7EC]  }
0x404: {  	[tilespmem:s30], [sflag:$0x1] =	stream.indirect_vreg.gather [hbm4b:s2+s3], $0x80, v2, vm0, $0xb8;
	[tilespmem:$0x10080] =	vst v63  }
0x405: {  	s9 =	simm.s32 $0x7080  }
0x406: {  	[tilespmem:s9], [sflag:$0x1] =	stream.indirect_vreg.gather [hbm4b:s20+s3], $0x80, v2, vm0, $0xb8;
	[tilespmem:$0x10080] =	vst v63  }
0x407: {  	s30 =	simm.s32 $0x7880;
	s9 =	sld [smem:$0x7EE]  }
0x408: {  	[tilespmem:s30], [sflag:$0x1] =	stream.indirect_vreg.gather [hbm4b:s21+s3], $0x80, v2, vm0, $0xb8;
	[tilespmem:$0x10080] =	vst v63  }
0x409: {  	s6 =	sld [smem:$0x7EF];
	s30 =	simm.s32 $0x8080  }
0x40a: {  	[tilespmem:s30], [sflag:$0x1] =	stream.indirect_vreg.gather [hbm4b:s9+s3], $0x80, v2, vm0, $0xb8;
	[tilespmem:$0x10080] =	vst v63  }
0x40b: {  	s30 =	simm.s32 $0x8880  }
0x40c: {  	[tilespmem:s30], [sflag:$0x1] =	stream.indirect_vreg.gather [hbm4b:s6+s3], $0x80, v2, vm0, $0xb8;
	[tilespmem:$0x10080] =	vst v63  }
0x40d: {  	s30 =	simm.s32 $0x9080  }
0x40e: {  	[tilespmem:s30], [sflag:$0x1] =	stream.indirect_vreg.gather [hbm4b:s23+s3], $0x80, v2, vm0, $0xb8;
	[tilespmem:$0x10080] =	vst v63  }
0x40f: {  	s30 =	simm.s32 $0x9880  }
0x410: {  	[tilespmem:s30], [sflag:$0x1] =	stream.indirect_vreg.gather [hbm4b:s26+s3], $0x80, v2, vm0, $0xb8;
	[tilespmem:$0x10080] =	vst v63  }
0x411: {  	s30 =	simm.s32 $0xA080  }
0x412: {  	[tilespmem:s30], [sflag:$0x1] =	stream.indirect_vreg.gather [hbm4b:s0+s3], $0x80, v2, vm0, $0xb8;
	[tilespmem:$0x10080] =	vst v63  }
0x413: {  	s9 =	simm.s32 $0xA880  }
0x414: {  	[tilespmem:s9], [sflag:$0x1] =	stream.indirect_vreg.gather [hbm4b:s11+s3], $0x80, v2, vm0, $0xb8;
	[tilespmem:$0x10080] =	vst v63  }
0x415: {  	s9 =	simm.s32 $0xB080;
	s11 =	sld [smem:$0x7F5]  }
0x416: {  	[tilespmem:s9], [sflag:$0x1] =	stream.indirect_vreg.gather [hbm4b:s13+s3], $0x80, v2, vm0, $0xb8;
	[tilespmem:$0x10080] =	vst v63  }
0x417: {  	s30 =	smov.u32 s0;
	s0 =	sld [smem:$0x7F6];
	s13 =	simm.s32 $0xB880  }
0x418: {  	[tilespmem:s13], [sflag:$0x1] =	stream.indirect_vreg.gather [hbm4b:s11+s3], $0x80, v2, vm0, $0xb8;
	[tilespmem:$0x10080] =	vst v63  }
0x419: {  	s11 =	simm.s32 $0xC080  }
0x41a: {  	[tilespmem:s11], [sflag:$0x1] =	stream.indirect_vreg.gather [hbm4b:s0+s3], $0x80, v2, vm0, $0xb8;
	[tilespmem:$0x10080] =	vst v63  }
0x41b: {  	s13 =	simm.s32 $0xC880  }
0x41c: {  	[tilespmem:s13], [sflag:$0x1] =	stream.indirect_vreg.gather [hbm4b:s28+s3], $0x80, v2, vm0, $0xb8;
	[tilespmem:$0x10080] =	vst v63  }
0x41d: {  	s11 =	simm.s32 $0xD080  }
0x41e: {  	[tilespmem:s11], [sflag:$0x1] =	stream.indirect_vreg.gather [hbm4b:s10+s3], $0x80, v2, vm0, $0xb8;
	[tilespmem:$0x10080] =	vst v63  }
0x41f: {  	s13 =	simm.s32 $0xD880;
	s11 =	sld [smem:$0x7FA]  }
0x420: {  	[tilespmem:s13], [sflag:$0x1] =	stream.indirect_vreg.gather [hbm4b:s22+s3], $0x80, v2, vm0, $0xb8;
	[tilespmem:$0x10080] =	vst v63  }
0x421: {  	s13 =	simm.s32 $0xE080  }
0x422: {  	[tilespmem:s13], [sflag:$0x1] =	stream.indirect_vreg.gather [hbm4b:s11+s3], $0x80, v2, vm0, $0xb8;
	[tilespmem:$0x10080] =	vst v63  }
0x423: {  	s11 =	simm.s32 $0xE880  }
0x424: {  	[tilespmem:s11], [sflag:$0x1] =	stream.indirect_vreg.gather [hbm4b:s14+s3], $0x80, v2, vm0, $0xb8;
	[tilespmem:$0x10080] =	vst v63  }
0x425: {  	s13 =	simm.s32 $0xF080  }
0x426: {  	[tilespmem:s13], [sflag:$0x1] =	stream.indirect_vreg.gather [hbm4b:s5+s3], $0x80, v2, vm0, $0xb8;
	[tilespmem:$0x10080] =	vst v63  }
0x427: {  	s9 =	simm.s32 $0xF880;
	s11 =	simm.s32 $0x1  }
0x428: {  	[tilespmem:s9], [sflag:$0x1] =	stream.indirect_vreg.gather [hbm4b:s8+s3], $0x80, v2, vm0, $0xb8;
	[tilespmem:$0x10080] =	vst v63  }
0x429: {  	_ =	swait.ge [sflag:s11], $0x10000  }
0x42a: {  	[sflag:s11] =	ssyncset.done $0x0  }
0x42b: {  	s5 =	simm.s32 $0x80;
	s13 =	rddreg [dreg:$0x10];
	[sflag:s11] =	ssyncadd.s32 $0xFFFF0000  }
0x42c: {  	[hbm4b:s13+s3] =	stream.linear.scatter [tilespmem:s5], [sflag:$0x2], $0x10000, $0x38;
	[tilespmem:$0x10080] =	vst v63  }
0x42d: {  	_ =	swait.ge [sflag:s16], $0x10000  }
0x42e: {  	[sflag:s16] =	ssyncset.done $0x0  }
0x42f: {  	[sflag:s16] =	ssyncadd.s32 $0xFFFF0000  }
0x430: {  	v2 =	vld.msk [tilespmem:$0x68], $0xff;
	_ =	sdelay $0x4  }
0x431: {  	v3 =	vshll.u32 v2, $0x6  }
0x432: {  	v2 =	vand.u32 $0x7, v2;
	v3 =	vand.u32 $0xFFFFFE00, v3  }
0x433: {  	v2 =	vor.u32 v2, v3  }
0x434: {  	v2 =	vperm.xlane v2, v0;
	_ =	sdelay $0x1  }
0x435: {  	v2 =	vadd.s32 v1, v2;
	_ =	sdelay $0x3  }
0x436: {  	s9 =	rddreg [dreg:$0x1]  }
0x437: {  	[tilespmem:s5], [sflag:$0x1] =	stream.indirect_vreg.gather [hbm4b:s9+s3], $0x80, v2, vm0, $0xb8;
	[tilespmem:$0x10080] =	vst v63  }
0x438: {  	s13 =	simm.s32 $0x880  }
0x439: {  	[tilespmem:s13], [sflag:$0x1] =	stream.indirect_vreg.gather [hbm4b:s31+s3], $0x80, v2, vm0, $0xb8;
	[tilespmem:$0x10080] =	vst v63  }
0x43a: {  	s11 =	simm.s32 $0x1080  }
0x43b: {  	[tilespmem:s11], [sflag:$0x1] =	stream.indirect_vreg.gather [hbm4b:s15+s3], $0x80, v2, vm0, $0xb8;
	[tilespmem:$0x10080] =	vst v63  }
0x43c: {  	s13 =	simm.s32 $0x1880  }
0x43d: {  	[tilespmem:s13], [sflag:$0x1] =	stream.indirect_vreg.gather [hbm4b:s25+s3], $0x80, v2, vm0, $0xb8;
	[tilespmem:$0x10080] =	vst v63  }
0x43e: {  	s15 =	simm.s32 $0x2080  }
0x43f: {  	[tilespmem:s15], [sflag:$0x1] =	stream.indirect_vreg.gather [hbm4b:s29+s3], $0x80, v2, vm0, $0xb8;
	[tilespmem:$0x10080] =	vst v63  }
0x440: {  	s5 =	smov.u32 s31;
	s31 =	simm.s32 $0x2880  }
0x441: {  	[tilespmem:s31], [sflag:$0x1] =	stream.indirect_vreg.gather [hbm4b:s19+s3], $0x80, v2, vm0, $0xb8;
	[tilespmem:$0x10080] =	vst v63  }
0x442: {  	s11 =	simm.s32 $0x3080  }
0x443: {  	[tilespmem:s11], [sflag:$0x1] =	stream.indirect_vreg.gather [hbm4b:s17+s3], $0x80, v2, vm0, $0xb8;
	[tilespmem:$0x10080] =	vst v63  }
0x444: {  	s13 =	simm.s32 $0x3880  }
0x445: {  	[tilespmem:s13], [sflag:$0x1] =	stream.indirect_vreg.gather [hbm4b:s18+s3], $0x80, v2, vm0, $0xb8;
	[tilespmem:$0x10080] =	vst v63  }
0x446: {  	s15 =	simm.s32 $0x4080  }
0x447: {  	[tilespmem:s15], [sflag:$0x1] =	stream.indirect_vreg.gather [hbm4b:s7+s3], $0x80, v2, vm0, $0xb8;
	[tilespmem:$0x10080] =	vst v63  }
0x448: {  	s31 =	simm.s32 $0x4880  }
0x449: {  	[tilespmem:s31], [sflag:$0x1] =	stream.indirect_vreg.gather [hbm4b:s4+s3], $0x80, v2, vm0, $0xb8;
	[tilespmem:$0x10080] =	vst v63  }
0x44a: {  	s9 =	simm.s32 $0x5080  }
0x44b: {  	[tilespmem:s9], [sflag:$0x1] =	stream.indirect_vreg.gather [hbm4b:s1+s3], $0x80, v2, vm0, $0xb8;
	[tilespmem:$0x10080] =	vst v63  }
0x44c: {  	s11 =	simm.s32 $0x5880  }
0x44d: {  	[tilespmem:s11], [sflag:$0x1] =	stream.indirect_vreg.gather [hbm4b:s12+s3], $0x80, v2, vm0, $0xb8;
	[tilespmem:$0x10080] =	vst v63  }
0x44e: {  	s12 =	simm.s32 $0x6080  }
0x44f: {  	[tilespmem:s12], [sflag:$0x1] =	stream.indirect_vreg.gather [hbm4b:s24+s3], $0x80, v2, vm0, $0xb8;
	[tilespmem:$0x10080] =	vst v63  }
0x450: {  	s13 =	simm.s32 $0x6880  }
0x451: {  	[tilespmem:s13], [sflag:$0x1] =	stream.indirect_vreg.gather [hbm4b:s2+s3], $0x80, v2, vm0, $0xb8;
	[tilespmem:$0x10080] =	vst v63  }
0x452: {  	s15 =	simm.s32 $0x7080  }
0x453: {  	[tilespmem:s15], [sflag:$0x1] =	stream.indirect_vreg.gather [hbm4b:s20+s3], $0x80, v2, vm0, $0xb8;
	[tilespmem:$0x10080] =	vst v63  }
0x454: {  	s31 =	sld [smem:$0x7EE];
	s20 =	simm.s32 $0x7880  }
0x455: {  	[tilespmem:s20], [sflag:$0x1] =	stream.indirect_vreg.gather [hbm4b:s21+s3], $0x80, v2, vm0, $0xb8;
	[tilespmem:$0x10080] =	vst v63  }
0x456: {  	s24 =	simm.s32 $0x8080  }
0x457: {  	[tilespmem:s24], [sflag:$0x1] =	stream.indirect_vreg.gather [hbm4b:s31+s3], $0x80, v2, vm0, $0xb8;
	[tilespmem:$0x10080] =	vst v63  }
0x458: {  	s13 =	smov.u32 s2;
	s2 =	simm.s32 $0x8880  }
0x459: {  	[tilespmem:s2], [sflag:$0x1] =	stream.indirect_vreg.gather [hbm4b:s6+s3], $0x80, v2, vm0, $0xb8;
	[tilespmem:$0x10080] =	vst v63  }
0x45a: {  	s4 =	simm.s32 $0x9080  }
0x45b: {  	[tilespmem:s4], [sflag:$0x1] =	stream.indirect_vreg.gather [hbm4b:s23+s3], $0x80, v2, vm0, $0xb8;
	[tilespmem:$0x10080] =	vst v63  }
0x45c: {  	s6 =	simm.s32 $0x9880  }
0x45d: {  	[tilespmem:s6], [sflag:$0x1] =	stream.indirect_vreg.gather [hbm4b:s26+s3], $0x80, v2, vm0, $0xb8;
	[tilespmem:$0x10080] =	vst v63  }
0x45e: {  	s7 =	simm.s32 $0xA080  }
0x45f: {  	[tilespmem:s7], [sflag:$0x1] =	stream.indirect_vreg.gather [hbm4b:s30+s3], $0x80, v2, vm0, $0xb8;
	[tilespmem:$0x10080] =	vst v63  }
0x460: {  	s7 =	sld [smem:$0x7F3];
	_ =	sdelay $0x1  }
0x461: {  	s9 =	simm.s32 $0xA880;
	s1 =	sld [smem:$0x7F4]  }
0x462: {  	[tilespmem:s9], [sflag:$0x1] =	stream.indirect_vreg.gather [hbm4b:s7+s3], $0x80, v2, vm0, $0xb8;
	[tilespmem:$0x10080] =	vst v63  }
0x463: {  	s12 =	simm.s32 $0xB080;
	s6 =	sld [smem:$0x7F5]  }
0x464: {  	[tilespmem:s12], [sflag:$0x1] =	stream.indirect_vreg.gather [hbm4b:s1+s3], $0x80, v2, vm0, $0xb8;
	[tilespmem:$0x10080] =	vst v63  }
0x465: {  	s15 =	simm.s32 $0xB880  }
0x466: {  	[tilespmem:s15], [sflag:$0x1] =	stream.indirect_vreg.gather [hbm4b:s6+s3], $0x80, v2, vm0, $0xb8;
	[tilespmem:$0x10080] =	vst v63  }
0x467: {  	s20 =	simm.s32 $0xC080  }
0x468: {  	[tilespmem:s20], [sflag:$0x1] =	stream.indirect_vreg.gather [hbm4b:s0+s3], $0x80, v2, vm0, $0xb8;
	[tilespmem:$0x10080] =	vst v63  }
0x469: {  	s11 =	smov.u32 s23;
	s24 =	simm.s32 $0xC880  }
0x46a: {  	[tilespmem:s24], [sflag:$0x1] =	stream.indirect_vreg.gather [hbm4b:s28+s3], $0x80, v2, vm0, $0xb8;
	[tilespmem:$0x10080] =	vst v63  }
0x46b: {  	s23 =	smov.u32 s26;
	s26 =	smov.u32 s30;
	s30 =	simm.s32 $0xD080  }
0x46c: {  	[tilespmem:s30], [sflag:$0x1] =	stream.indirect_vreg.gather [hbm4b:s10+s3], $0x80, v2, vm0, $0xb8;
	[tilespmem:$0x10080] =	vst v63  }
0x46d: {  	s2 =	simm.s32 $0xD880;
	s20 =	smov.u32 s10;
	s10 =	sld [smem:$0x7FA]  }
0x46e: {  	[tilespmem:s2], [sflag:$0x1] =	stream.indirect_vreg.gather [hbm4b:s22+s3], $0x80, v2, vm0, $0xb8;
	[tilespmem:$0x10080] =	vst v63  }
0x46f: {  	s9 =	simm.s32 $0xE080  }
0x470: {  	[tilespmem:s9], [sflag:$0x1] =	stream.indirect_vreg.gather [hbm4b:s10+s3], $0x80, v2, vm0, $0xb8;
	[tilespmem:$0x10080] =	vst v63  }
0x471: {  	s12 =	simm.s32 $0xE880;
	s2 =	sld [smem:$0x7FC]  }
0x472: {  	[tilespmem:s12], [sflag:$0x1] =	stream.indirect_vreg.gather [hbm4b:s14+s3], $0x80, v2, vm0, $0xb8;
	[tilespmem:$0x10080] =	vst v63  }
0x473: {  	s24 =	simm.s32 $0xF080  }
0x474: {  	[tilespmem:s24], [sflag:$0x1] =	stream.indirect_vreg.gather [hbm4b:s2+s3], $0x80, v2, vm0, $0xb8;
	[tilespmem:$0x10080] =	vst v63  }
0x475: {  	s30 =	simm.s32 $0xF880;
	s9 =	simm.s32 $0x1  }
0x476: {  	[tilespmem:s30], [sflag:$0x1] =	stream.indirect_vreg.gather [hbm4b:s8+s3], $0x80, v2, vm0, $0xb8;
	[tilespmem:$0x10080] =	vst v63  }
0x477: {  	_ =	swait.ge [sflag:s9], $0x10000  }
0x478: {  	s15 =	smov.u32 s14;
	[sflag:s9] =	ssyncset.done $0x0  }
0x479: {  	s14 =	simm.s32 $0x80;
	s12 =	rddreg [dreg:$0x11];
	[sflag:s9] =	ssyncadd.s32 $0xFFFF0000  }
0x47a: {  	[hbm4b:s12+s3] =	stream.linear.scatter [tilespmem:s14], [sflag:$0x2], $0x10000, $0x38;
	[tilespmem:$0x10080] =	vst v63  }
0x47b: {  	_ =	swait.ge [sflag:s16], $0x10000  }
0x47c: {  	[sflag:s16] =	ssyncset.done $0x0  }
0x47d: {  	[sflag:s16] =	ssyncadd.s32 $0xFFFF0000  }
0x47e: {  	v2 =	vld.msk [tilespmem:$0x70], $0xff;
	_ =	sdelay $0x4  }
0x47f: {  	v3 =	vshll.u32 v2, $0x6  }
0x480: {  	v2 =	vand.u32 $0x7, v2;
	v3 =	vand.u32 $0xFFFFFE00, v3  }
0x481: {  	v2 =	vor.u32 v2, v3  }
0x482: {  	v2 =	vperm.xlane v2, v0;
	_ =	sdelay $0x1  }
0x483: {  	v2 =	vadd.s32 v1, v2;
	_ =	sdelay $0x3  }
0x484: {  	s24 =	rddreg [dreg:$0x1]  }
0x485: {  	[tilespmem:s14], [sflag:$0x1] =	stream.indirect_vreg.gather [hbm4b:s24+s3], $0x80, v2, vm0, $0xb8;
	[tilespmem:$0x10080] =	vst v63  }
0x486: {  	s30 =	simm.s32 $0x880  }
0x487: {  	[tilespmem:s30], [sflag:$0x1] =	stream.indirect_vreg.gather [hbm4b:s5+s3], $0x80, v2, vm0, $0xb8;
	[tilespmem:$0x10080] =	vst v63  }
0x488: {  	s9 =	simm.s32 $0x1080;
	s12 =	rddreg [dreg:$0x15]  }
0x489: {  	[tilespmem:s9], [sflag:$0x1] =	stream.indirect_vreg.gather [hbm4b:s12+s3], $0x80, v2, vm0, $0xb8;
	[tilespmem:$0x10080] =	vst v63  }
0x48a: {  	s14 =	simm.s32 $0x1880  }
0x48b: {  	[tilespmem:s14], [sflag:$0x1] =	stream.indirect_vreg.gather [hbm4b:s25+s3], $0x80, v2, vm0, $0xb8;
	[tilespmem:$0x10080] =	vst v63  }
0x48c: {  	s24 =	simm.s32 $0x2080  }
0x48d: {  	[tilespmem:s24], [sflag:$0x1] =	stream.indirect_vreg.gather [hbm4b:s29+s3], $0x80, v2, vm0, $0xb8;
	[tilespmem:$0x10080] =	vst v63  }
0x48e: {  	s30 =	simm.s32 $0x2880  }
0x48f: {  	[tilespmem:s30], [sflag:$0x1] =	stream.indirect_vreg.gather [hbm4b:s19+s3], $0x80, v2, vm0, $0xb8;
	[tilespmem:$0x10080] =	vst v63  }
0x490: {  	s9 =	simm.s32 $0x3080  }
0x491: {  	[tilespmem:s9], [sflag:$0x1] =	stream.indirect_vreg.gather [hbm4b:s17+s3], $0x80, v2, vm0, $0xb8;
	[tilespmem:$0x10080] =	vst v63  }
0x492: {  	s14 =	simm.s32 $0x3880  }
0x493: {  	[tilespmem:s14], [sflag:$0x1] =	stream.indirect_vreg.gather [hbm4b:s18+s3], $0x80, v2, vm0, $0xb8;
	[tilespmem:$0x10080] =	vst v63  }
0x494: {  	s17 =	simm.s32 $0x4080;
	s14 =	rddreg [dreg:$0x1c]  }
0x495: {  	[tilespmem:s17], [sflag:$0x1] =	stream.indirect_vreg.gather [hbm4b:s14+s3], $0x80, v2, vm0, $0xb8;
	[tilespmem:$0x10080] =	vst v63  }
0x496: {  	s24 =	simm.s32 $0x4880;
	s17 =	rddreg [dreg:$0x1d]  }
0x497: {  	[tilespmem:s24], [sflag:$0x1] =	stream.indirect_vreg.gather [hbm4b:s17+s3], $0x80, v2, vm0, $0xb8;
	[tilespmem:$0x10080] =	vst v63  }
0x498: {  	s30 =	simm.s32 $0x5080;
	s24 =	rddreg [dreg:$0x1e]  }
0x499: {  	[tilespmem:s30], [sflag:$0x1] =	stream.indirect_vreg.gather [hbm4b:s24+s3], $0x80, v2, vm0, $0xb8;
	[tilespmem:$0x10080] =	vst v63  }
0x49a: {  	s9 =	simm.s32 $0x5880;
	s30 =	rddreg [dreg:$0x1f]  }
0x49b: {  	[tilespmem:s9], [sflag:$0x1] =	stream.indirect_vreg.gather [hbm4b:s30+s3], $0x80, v2, vm0, $0xb8;
	[tilespmem:$0x10080] =	vst v63  }
0x49c: {  	s9 =	sld [smem:$0x7EA];
	_ =	sdelay $0x1  }
0x49d: {  	s4 =	smov.u32 s0;
	s0 =	simm.s32 $0x6080  }
0x49e: {  	[tilespmem:s0], [sflag:$0x1] =	stream.indirect_vreg.gather [hbm4b:s9+s3], $0x80, v2, vm0, $0xb8;
	[tilespmem:$0x10080] =	vst v63  }
0x49f: {  	s9 =	simm.s32 $0x6880  }
0x4a0: {  	[tilespmem:s9], [sflag:$0x1] =	stream.indirect_vreg.gather [hbm4b:s13+s3], $0x80, v2, vm0, $0xb8;
	[tilespmem:$0x10080] =	vst v63  }
0x4a1: {  	s13 =	sld [smem:$0x7EC];
	_ =	sdelay $0x1  }
0x4a2: {  	s9 =	simm.s32 $0x7080  }
0x4a3: {  	[tilespmem:s9], [sflag:$0x1] =	stream.indirect_vreg.gather [hbm4b:s13+s3], $0x80, v2, vm0, $0xb8;
	[tilespmem:$0x10080] =	vst v63  }
0x4a4: {  	s9 =	simm.s32 $0x7880  }
0x4a5: {  	[tilespmem:s9], [sflag:$0x1] =	stream.indirect_vreg.gather [hbm4b:s21+s3], $0x80, v2, vm0, $0xb8;
	[tilespmem:$0x10080] =	vst v63  }
0x4a6: {  	s21 =	simm.s32 $0x8080  }
0x4a7: {  	[tilespmem:s21], [sflag:$0x1] =	stream.indirect_vreg.gather [hbm4b:s31+s3], $0x80, v2, vm0, $0xb8;
	[tilespmem:$0x10080] =	vst v63  }
0x4a8: {  	s21 =	sld [smem:$0x7EF];
	_ =	sdelay $0x1  }
0x4a9: {  	s9 =	simm.s32 $0x8880  }
0x4aa: {  	[tilespmem:s9], [sflag:$0x1] =	stream.indirect_vreg.gather [hbm4b:s21+s3], $0x80, v2, vm0, $0xb8;
	[tilespmem:$0x10080] =	vst v63  }
0x4ab: {  	s9 =	simm.s32 $0x9080  }
0x4ac: {  	[tilespmem:s9], [sflag:$0x1] =	stream.indirect_vreg.gather [hbm4b:s11+s3], $0x80, v2, vm0, $0xb8;
	[tilespmem:$0x10080] =	vst v63  }
0x4ad: {  	s9 =	simm.s32 $0x9880  }
0x4ae: {  	[tilespmem:s9], [sflag:$0x1] =	stream.indirect_vreg.gather [hbm4b:s23+s3], $0x80, v2, vm0, $0xb8;
	[tilespmem:$0x10080] =	vst v63  }
0x4af: {  	s9 =	simm.s32 $0xA080  }
0x4b0: {  	[tilespmem:s9], [sflag:$0x1] =	stream.indirect_vreg.gather [hbm4b:s26+s3], $0x80, v2, vm0, $0xb8;
	[tilespmem:$0x10080] =	vst v63  }
0x4b1: {  	s9 =	simm.s32 $0xA880  }
0x4b2: {  	[tilespmem:s9], [sflag:$0x1] =	stream.indirect_vreg.gather [hbm4b:s7+s3], $0x80, v2, vm0, $0xb8;
	[tilespmem:$0x10080] =	vst v63  }
0x4b3: {  	s9 =	simm.s32 $0xB080  }
0x4b4: {  	[tilespmem:s9], [sflag:$0x1] =	stream.indirect_vreg.gather [hbm4b:s1+s3], $0x80, v2, vm0, $0xb8;
	[tilespmem:$0x10080] =	vst v63  }
0x4b5: {  	s9 =	simm.s32 $0xB880  }
0x4b6: {  	[tilespmem:s9], [sflag:$0x1] =	stream.indirect_vreg.gather [hbm4b:s6+s3], $0x80, v2, vm0, $0xb8;
	[tilespmem:$0x10080] =	vst v63  }
0x4b7: {  	s9 =	simm.s32 $0xC080  }
0x4b8: {  	[tilespmem:s9], [sflag:$0x1] =	stream.indirect_vreg.gather [hbm4b:s4+s3], $0x80, v2, vm0, $0xb8;
	[tilespmem:$0x10080] =	vst v63  }
0x4b9: {  	s9 =	simm.s32 $0xC880  }
0x4ba: {  	[tilespmem:s9], [sflag:$0x1] =	stream.indirect_vreg.gather [hbm4b:s28+s3], $0x80, v2, vm0, $0xb8;
	[tilespmem:$0x10080] =	vst v63  }
0x4bb: {  	s9 =	simm.s32 $0xD080  }
0x4bc: {  	[tilespmem:s9], [sflag:$0x1] =	stream.indirect_vreg.gather [hbm4b:s20+s3], $0x80, v2, vm0, $0xb8;
	[tilespmem:$0x10080] =	vst v63  }
0x4bd: {  	s9 =	simm.s32 $0xD880  }
0x4be: {  	[tilespmem:s9], [sflag:$0x1] =	stream.indirect_vreg.gather [hbm4b:s22+s3], $0x80, v2, vm0, $0xb8;
	[tilespmem:$0x10080] =	vst v63  }
0x4bf: {  	s9 =	simm.s32 $0xE080  }
0x4c0: {  	[tilespmem:s9], [sflag:$0x1] =	stream.indirect_vreg.gather [hbm4b:s10+s3], $0x80, v2, vm0, $0xb8;
	[tilespmem:$0x10080] =	vst v63  }
0x4c1: {  	s9 =	simm.s32 $0xE880  }
0x4c2: {  	[tilespmem:s9], [sflag:$0x1] =	stream.indirect_vreg.gather [hbm4b:s15+s3], $0x80, v2, vm0, $0xb8;
	[tilespmem:$0x10080] =	vst v63  }
0x4c3: {  	s9 =	simm.s32 $0xF080  }
0x4c4: {  	[tilespmem:s9], [sflag:$0x1] =	stream.indirect_vreg.gather [hbm4b:s2+s3], $0x80, v2, vm0, $0xb8;
	[tilespmem:$0x10080] =	vst v63  }
0x4c5: {  	s0 =	simm.s32 $0x1;
	s9 =	simm.s32 $0xF880  }
0x4c6: {  	[tilespmem:s9], [sflag:$0x1] =	stream.indirect_vreg.gather [hbm4b:s8+s3], $0x80, v2, vm0, $0xb8;
	[tilespmem:$0x10080] =	vst v63  }
0x4c7: {  	_ =	swait.ge [sflag:s0], $0x10000  }
0x4c8: {  	[sflag:s0] =	ssyncset.done $0x0  }
0x4c9: {  	s9 =	rddreg [dreg:$0x12];
	[sflag:s0] =	ssyncadd.s32 $0xFFFF0000;
	s0 =	simm.s32 $0x80  }
0x4ca: {  	[hbm4b:s9+s3] =	stream.linear.scatter [tilespmem:s0], [sflag:$0x2], $0x10000, $0x38;
	[tilespmem:$0x10080] =	vst v63  }
0x4cb: {  	_ =	swait.ge [sflag:s16], $0x10000  }
0x4cc: {  	[sflag:s16] =	ssyncset.done $0x0  }
0x4cd: {  	[sflag:s16] =	ssyncadd.s32 $0xFFFF0000  }
0x4ce: {  	v2 =	vld.msk [tilespmem:$0x78], $0xff;
	_ =	sdelay $0x4  }
0x4cf: {  	v3 =	vshll.u32 v2, $0x6  }
0x4d0: {  	v2 =	vand.u32 $0x7, v2;
	v3 =	vand.u32 $0xFFFFFE00, v3  }
0x4d1: {  	v2 =	vor.u32 v2, v3  }
0x4d2: {  	v2 =	vperm.xlane v2, v0;
	_ =	sdelay $0x1  }
0x4d3: {  	v2 =	vadd.s32 v1, v2;
	_ =	sdelay $0x3  }
0x4d4: {  	s9 =	rddreg [dreg:$0x1]  }
0x4d5: {  	[tilespmem:s0], [sflag:$0x1] =	stream.indirect_vreg.gather [hbm4b:s9+s3], $0x80, v2, vm0, $0xb8;
	[tilespmem:$0x10080] =	vst v63  }
0x4d6: {  	s9 =	simm.s32 $0x880  }
0x4d7: {  	[tilespmem:s9], [sflag:$0x1] =	stream.indirect_vreg.gather [hbm4b:s5+s3], $0x80, v2, vm0, $0xb8;
	[tilespmem:$0x10080] =	vst v63  }
0x4d8: {  	s9 =	simm.s32 $0x1080  }
0x4d9: {  	[tilespmem:s9], [sflag:$0x1] =	stream.indirect_vreg.gather [hbm4b:s12+s3], $0x80, v2, vm0, $0xb8;
	[tilespmem:$0x10080] =	vst v63  }
0x4da: {  	s12 =	simm.s32 $0x1880  }
0x4db: {  	[tilespmem:s12], [sflag:$0x1] =	stream.indirect_vreg.gather [hbm4b:s25+s3], $0x80, v2, vm0, $0xb8;
	[tilespmem:$0x10080] =	vst v63  }
0x4dc: {  	s9 =	simm.s32 $0x2080  }
0x4dd: {  	[tilespmem:s9], [sflag:$0x1] =	stream.indirect_vreg.gather [hbm4b:s29+s3], $0x80, v2, vm0, $0xb8;
	[tilespmem:$0x10080] =	vst v63  }
0x4de: {  	s12 =	simm.s32 $0x2880  }
0x4df: {  	[tilespmem:s12], [sflag:$0x1] =	stream.indirect_vreg.gather [hbm4b:s19+s3], $0x80, v2, vm0, $0xb8;
	[tilespmem:$0x10080] =	vst v63  }
0x4e0: {  	s25 =	simm.s32 $0x3080;
	s29 =	rddreg [dreg:$0x1a]  }
0x4e1: {  	[tilespmem:s25], [sflag:$0x1] =	stream.indirect_vreg.gather [hbm4b:s29+s3], $0x80, v2, vm0, $0xb8;
	[tilespmem:$0x10080] =	vst v63  }
0x4e2: {  	s12 =	simm.s32 $0x3880  }
0x4e3: {  	[tilespmem:s12], [sflag:$0x1] =	stream.indirect_vreg.gather [hbm4b:s18+s3], $0x80, v2, vm0, $0xb8;
	[tilespmem:$0x10080] =	vst v63  }
0x4e4: {  	s19 =	simm.s32 $0x4080  }
0x4e5: {  	[tilespmem:s19], [sflag:$0x1] =	stream.indirect_vreg.gather [hbm4b:s14+s3], $0x80, v2, vm0, $0xb8;
	[tilespmem:$0x10080] =	vst v63  }
0x4e6: {  	s25 =	simm.s32 $0x4880  }
0x4e7: {  	[tilespmem:s25], [sflag:$0x1] =	stream.indirect_vreg.gather [hbm4b:s17+s3], $0x80, v2, vm0, $0xb8;
	[tilespmem:$0x10080] =	vst v63  }
0x4e8: {  	s29 =	simm.s32 $0x5080  }
0x4e9: {  	[tilespmem:s29], [sflag:$0x1] =	stream.indirect_vreg.gather [hbm4b:s24+s3], $0x80, v2, vm0, $0xb8;
	[tilespmem:$0x10080] =	vst v63  }
0x4ea: {  	s9 =	simm.s32 $0x5880;
	s14 =	sld [smem:$0x7EA]  }
0x4eb: {  	[tilespmem:s9], [sflag:$0x1] =	stream.indirect_vreg.gather [hbm4b:s30+s3], $0x80, v2, vm0, $0xb8;
	[tilespmem:$0x10080] =	vst v63  }
0x4ec: {  	s12 =	simm.s32 $0x6080;
	s17 =	sld [smem:$0x7EB]  }
0x4ed: {  	[tilespmem:s12], [sflag:$0x1] =	stream.indirect_vreg.gather [hbm4b:s14+s3], $0x80, v2, vm0, $0xb8;
	[tilespmem:$0x10080] =	vst v63  }
0x4ee: {  	s18 =	simm.s32 $0x6880  }
0x4ef: {  	[tilespmem:s18], [sflag:$0x1] =	stream.indirect_vreg.gather [hbm4b:s17+s3], $0x80, v2, vm0, $0xb8;
	[tilespmem:$0x10080] =	vst v63  }
0x4f0: {  	s19 =	simm.s32 $0x7080;
	s25 =	sld [smem:$0x7ED]  }
0x4f1: {  	[tilespmem:s19], [sflag:$0x1] =	stream.indirect_vreg.gather [hbm4b:s13+s3], $0x80, v2, vm0, $0xb8;
	[tilespmem:$0x10080] =	vst v63  }
0x4f2: {  	s24 =	simm.s32 $0x7880  }
0x4f3: {  	[tilespmem:s24], [sflag:$0x1] =	stream.indirect_vreg.gather [hbm4b:s25+s3], $0x80, v2, vm0, $0xb8;
	[tilespmem:$0x10080] =	vst v63  }
0x4f4: {  	s29 =	simm.s32 $0x8080  }
0x4f5: {  	[tilespmem:s29], [sflag:$0x1] =	stream.indirect_vreg.gather [hbm4b:s31+s3], $0x80, v2, vm0, $0xb8;
	[tilespmem:$0x10080] =	vst v63  }
0x4f6: {  	s30 =	simm.s32 $0x8880  }
0x4f7: {  	[tilespmem:s30], [sflag:$0x1] =	stream.indirect_vreg.gather [hbm4b:s21+s3], $0x80, v2, vm0, $0xb8;
	[tilespmem:$0x10080] =	vst v63  }
0x4f8: {  	s31 =	simm.s32 $0x9080  }
0x4f9: {  	[tilespmem:s31], [sflag:$0x1] =	stream.indirect_vreg.gather [hbm4b:s11+s3], $0x80, v2, vm0, $0xb8;
	[tilespmem:$0x10080] =	vst v63  }
0x4fa: {  	s9 =	simm.s32 $0x9880  }
0x4fb: {  	[tilespmem:s9], [sflag:$0x1] =	stream.indirect_vreg.gather [hbm4b:s23+s3], $0x80, v2, vm0, $0xb8;
	[tilespmem:$0x10080] =	vst v63  }
0x4fc: {  	s11 =	simm.s32 $0xA080  }
0x4fd: {  	[tilespmem:s11], [sflag:$0x1] =	stream.indirect_vreg.gather [hbm4b:s26+s3], $0x80, v2, vm0, $0xb8;
	[tilespmem:$0x10080] =	vst v63  }
0x4fe: {  	s12 =	simm.s32 $0xA880  }
0x4ff: {  	[tilespmem:s12], [sflag:$0x1] =	stream.indirect_vreg.gather [hbm4b:s7+s3], $0x80, v2, vm0, $0xb8;
	[tilespmem:$0x10080] =	vst v63  }
0x500: {  	s13 =	simm.s32 $0xB080  }
0x501: {  	[tilespmem:s13], [sflag:$0x1] =	stream.indirect_vreg.gather [hbm4b:s1+s3], $0x80, v2, vm0, $0xb8;
	[tilespmem:$0x10080] =	vst v63  }
0x502: {  	s14 =	simm.s32 $0xB880  }
0x503: {  	[tilespmem:s14], [sflag:$0x1] =	stream.indirect_vreg.gather [hbm4b:s6+s3], $0x80, v2, vm0, $0xb8;
	[tilespmem:$0x10080] =	vst v63  }
0x504: {  	s17 =	simm.s32 $0xC080  }
0x505: {  	[tilespmem:s17], [sflag:$0x1] =	stream.indirect_vreg.gather [hbm4b:s4+s3], $0x80, v2, vm0, $0xb8;
	[tilespmem:$0x10080] =	vst v63  }
0x506: {  	s18 =	simm.s32 $0xC880  }
0x507: {  	[tilespmem:s18], [sflag:$0x1] =	stream.indirect_vreg.gather [hbm4b:s28+s3], $0x80, v2, vm0, $0xb8;
	[tilespmem:$0x10080] =	vst v63  }
0x508: {  	s19 =	simm.s32 $0xD080  }
0x509: {  	[tilespmem:s19], [sflag:$0x1] =	stream.indirect_vreg.gather [hbm4b:s20+s3], $0x80, v2, vm0, $0xb8;
	[tilespmem:$0x10080] =	vst v63  }
0x50a: {  	s21 =	simm.s32 $0xD880  }
0x50b: {  	[tilespmem:s21], [sflag:$0x1] =	stream.indirect_vreg.gather [hbm4b:s22+s3], $0x80, v2, vm0, $0xb8;
	[tilespmem:$0x10080] =	vst v63  }
0x50c: {  	s23 =	simm.s32 $0xE080  }
0x50d: {  	[tilespmem:s23], [sflag:$0x1] =	stream.indirect_vreg.gather [hbm4b:s10+s3], $0x80, v2, vm0, $0xb8;
	[tilespmem:$0x10080] =	vst v63  }
0x50e: {  	s24 =	simm.s32 $0xE880  }
0x50f: {  	[tilespmem:s24], [sflag:$0x1] =	stream.indirect_vreg.gather [hbm4b:s15+s3], $0x80, v2, vm0, $0xb8;
	[tilespmem:$0x10080] =	vst v63  }
0x510: {  	s25 =	simm.s32 $0xF080  }
0x511: {  	[tilespmem:s25], [sflag:$0x1] =	stream.indirect_vreg.gather [hbm4b:s2+s3], $0x80, v2, vm0, $0xb8;
	[tilespmem:$0x10080] =	vst v63  }
0x512: {  	s26 =	simm.s32 $0xF880;
	s28 =	simm.s32 $0x1  }
0x513: {  	[tilespmem:s26], [sflag:$0x1] =	stream.indirect_vreg.gather [hbm4b:s8+s3], $0x80, v2, vm0, $0xb8;
	[tilespmem:$0x10080] =	vst v63  }
0x514: {  	_ =	swait.ge [sflag:s28], $0x10000  }
0x515: {  	s31 =	sld [smem:$0x7E9];
	_ =	sdelay $0x1  }
0x516: {  	s0 =	simm.s32 $0x80  }
0x517: {  	s30 =	simm.s32 $0x1;
	[sflag:s28] =	ssyncset.done $0x0;
	p0 =	sne.s32 s31, $0x1  }
.Ltmp0:
0x518: {  	s29 =	rddreg [dreg:$0x13];
	[sflag:s30] =	ssyncadd.s32 $0xFFFF0000;
	(pc) =	sbr.rel @p0 .LBB2_1-.Ltmp0, $4  }
0x519: {  	[hbm4b:s29+s3] =	stream.linear.scatter [tilespmem:s0], [sflag:$0x2], $0x10000, $0x38;
	[tilespmem:$0x10080] =	vst v63  }
0x51a: {  	_ =	swait.ge [sflag:s16], $0x10000  }
0x51b: {  	[sflag:s16] =	ssyncset.done $0x0  }
0x51c: {  	s9 =	sadd.s32 $0xFFFFFFFF, s31;
	[sflag:s16] =	ssyncadd.s32 $0xFFFF0000  }
0x51d: {  	_ =	sfence.sel $0x180000  }
0x51e: {  	[bflag:$0x0] =	sbarrier.arrive $0xFFFF  }
0x51f: {  	_ =	strace $0x90000047  }
0x520: {  	s0 =	stileid.u32;
	[bflag:$0x2] =	sbarrier.arrive $0xFFFF  }
0x521: {  	p0 =	sne.s32 s0, $0x0;
	s0 =	rddreg [dreg:$0x3]  }
0x522: {  	s0 =	sadd.s32 @!p0 $0x100000, s0  }
0x523: {  	[sflag:s0] =	ssyncadd.tile.s32 @!p0 $0x1;
	_ =	shalt  }
.Lfunc_end2:
_tile_overlayer_lowered:
.L_overlay_start_2:
0x524: {  	(tag) =	ssettag $0x2  }
0x525: {  	s0 =	rddreg [dreg:$0x0];
	s2 =	stileid.u32  }
0x526: {  	s1 =	rddreg [dreg:$0x1];
	p0 =	sne.s32 s2, $0x0  }
0x527: {  	s3 =	rddreg [dreg:$0x2];
	[bflag:$0x3] =	sbarrier.arrive $0xFFFF;
	s2 =	simm.s32 @!p0 $0x1C02  }
0x528: {  	[timem:s3], [sflag:s2] =	dma.local @!p0 [hbm:s0], s1  }
0x529: {  	s0 =	simm.s32 @!p0 $0x2  }
0x52a: {  	_ =	swait.ge @!p0 [sflag:s0], s1  }
0x52b: {  	s1 =	ssub.s32 @!p0 $0x0, s1;
	[sflag:s0] =	ssyncset.done @!p0 $0x0  }
0x52c: {  	[sflag:s0] =	ssyncadd.s32 @!p0 s1  }
0x52d: {  	[bflag:$0x3] =	sbarrier.arrive $0xFFFF  }
0x52e: {  	_ =	shalt  }

</sc_bundles>
